<compile_context>
chip_gen: v7x
topology: tpu7x:2x2x1
jax: 0.10.2.dev20260603
libtpu: 0.0.44.dev20260713+nightly
codegen_flags: <defaults>
</compile_context>

<pallas_src>
import jax
import jax.numpy as jnp
from jax import lax
from jax.experimental import pallas as pl
from jax.experimental.pallas import tpu as pltpu
from jax.experimental.pallas import tpu_sc as plsc

EPS_FACTOR = 2.0 * (1.0 + 0.1)

N_NODES = 10000
N_EDGES = 160000
D = 256
H = D // 2

NC = 2
NS = 16
CHUNK = 80
EDGES_PER_TILE = N_EDGES // NS
N_CHUNKS = EDGES_PER_TILE // CHUNK
WB = 80
NWB = N_NODES // WB
WB_PER_TILE = (NWB + NS - 1) // NS


def _sc_segment_sum_body(
    x20, src, dst, out, sbuf, db_0, db_1, db_2, rows_0, rows_1, rows_2, acc,
    g0, g1, g2, s0, s1, s2, d0, d1, d2,
):
  rows = [rows_0, rows_1, rows_2]
  db = [db_0, db_1, db_2]
  gsem = [g0, g1, g2]
  ssem = [s0, s1, s2]
  dsem = [d0, d1, d2]
  cid = lax.axis_index("c")
  sid = lax.axis_index("s")
  half_bits = cid * 8

  pltpu.sync_copy(src.at[pl.ds(sid * EDGES_PER_TILE, EDGES_PER_TILE)], sbuf)

  def remap_row(r, _):
    for j in range(CHUNK // 16):
      v = sbuf[pl.ds(r * CHUNK + j * 16, 16)]
      sbuf[pl.ds(r * CHUNK + j * 16, 16)] = ((v >> 3) << 4) | (v & 7) | half_bits
    return 0

  lax.fori_loop(0, N_CHUNKS, remap_row, 0)

  zero = jnp.zeros((16,), jnp.float32)

  def zero_row(r, _):
    for j in range(H // 16):
      rows_0[r, pl.ds(j * 16, 16)] = zero
    return 0

  lax.fori_loop(0, WB, zero_row, 0)
  nz = 0
  for k in range(WB_PER_TILE):
    c = sid + NS * k

    @pl.when(c < NWB)
    def _():
      pltpu.async_copy(rows_0, acc.at[pl.ds(c * WB, WB)], g0)

    nz += 1
  for k in range(nz):
    @pl.when(sid + NS * k < NWB)
    def _():
      pltpu.make_async_copy(rows_0, acc.at[pl.ds(0, WB)], g0).wait()

  plsc.subcore_barrier()

  ebase = sid * EDGES_PER_TILE

  def gather(i, r):
    pltpu.async_copy(x20.at[sbuf.at[pl.ds(i * CHUNK, CHUNK)]], rows[r], gsem[r])

  def drain_gather(r):
    pltpu.make_async_copy(
        x20.at[sbuf.at[pl.ds(0, CHUNK)]], rows[r], gsem[r]
    ).wait()

  def scatter(r):
    pltpu.async_copy(rows[r], acc.at[db[r]], ssem[r], add=True)

  def wait_scatter(r):
    pltpu.make_async_copy(rows[r], acc.at[db[r]], ssem[r]).wait()

  def load_dst(i, r):
    pltpu.async_copy(dst.at[pl.ds(ebase + i * CHUNK, CHUNK)], db[r], dsem[r])

  def wait_dst(r):
    pltpu.make_async_copy(dst.at[pl.ds(0, CHUNK)], db[r], dsem[r]).wait()

  load_dst(0, 0)
  load_dst(1, 1)
  gather(0, 0)
  gather(1, 1)

  def step(k, _):
    j0 = 3 * k
    for r in range(3):
      j = j0 + r
      drain_gather(r)
      wait_dst(r)
      scatter(r)
      nr = (r + 2) % 3

      @pl.when(j >= 1)
      def _():
        wait_scatter(nr)

      load_dst(j + 2, nr)
      gather(j + 2, nr)
    return 0

  lax.fori_loop(0, (N_CHUNKS - 2) // 3, step, 0)
  for j in (N_CHUNKS - 2, N_CHUNKS - 1):
    r = j % 3
    drain_gather(r)
    wait_dst(r)
    scatter(r)
  for r in range(3):
    wait_scatter(r)
  plsc.subcore_barrier()

  def rd(k, r):
    c = sid + NS * k

    @pl.when(c < NWB)
    def _():
      pltpu.async_copy(acc.at[pl.ds(c * WB, WB)], rows[r], gsem[r])

  def wr(k, r):
    c = sid + NS * k

    @pl.when(c < NWB)
    def _():
      pltpu.make_async_copy(acc.at[pl.ds(0, WB)], rows[r], gsem[r]).wait()
      pltpu.async_copy(rows[r], out.at[cid, pl.ds(c * WB, WB)], ssem[r])

  def wrw(k, r):
    c = sid + NS * k

    @pl.when(c < NWB)
    def _():
      pltpu.make_async_copy(
          rows[r], out.at[cid, pl.ds(0, WB)], ssem[r]
      ).wait()

  rd(0, 0)
  for k in range(WB_PER_TILE):
    r = k % 2
    if k >= 1:
      wrw(k - 1, 1 - r)
    if k + 1 < WB_PER_TILE:
      rd(k + 1, 1 - r)
    wr(k, r)
  wrw(WB_PER_TILE - 1, (WB_PER_TILE - 1) % 2)


@jax.jit
def _sc_segment_sum(x20, src, dst):
  mesh = plsc.VectorSubcoreMesh(
      core_axis_name="c", subcore_axis_name="s", num_cores=NC, num_subcores=NS
  )
  return pl.kernel(
      _sc_segment_sum_body,
      out_type=jax.ShapeDtypeStruct((NC, N_NODES, H), jnp.float32),
      mesh=mesh,
      scratch_types=(
          [pltpu.VMEM((EDGES_PER_TILE,), jnp.int32)]
          + [pltpu.VMEM((CHUNK,), jnp.int32)] * 3
          + [pltpu.VMEM((CHUNK, H), jnp.float32)] * 3
          + [pltpu.VMEM_SHARED((N_NODES, H), jnp.float32)]
          + [pltpu.SemaphoreType.DMA] * 9
      ),
  )(x20, src, dst)


def _dense_body(neigh_ref, x_ref, w_ref, b_ref, o_ref):
  lo = neigh_ref[0] + EPS_FACTOR * x_ref[:, :H]
  hi = neigh_ref[1] + EPS_FACTOR * x_ref[:, H:]
  dn = (((1,), (1,)), ((), ()))
  acc = lax.dot_general(
      lo, w_ref[:, :H], dn, preferred_element_type=jnp.float32
  )
  acc = acc + lax.dot_general(
      hi, w_ref[:, H:], dn, preferred_element_type=jnp.float32
  )
  o_ref[...] = jnp.maximum(acc + b_ref[...], 0.0)


@jax.jit
def _dense(neigh2, x, w, b2):
  bn = 2000
  grid = (N_NODES // bn,)
  return pl.pallas_call(
      _dense_body,
      grid=grid,
      in_specs=[
          pl.BlockSpec((NC, bn, H), lambda i: (0, i, 0)),
          pl.BlockSpec((bn, D), lambda i: (i, 0)),
          pl.BlockSpec((D, D), lambda i: (0, 0)),
          pl.BlockSpec((1, D), lambda i: (0, 0)),
      ],
      out_specs=pl.BlockSpec((bn, D), lambda i: (i, 0)),
      out_shape=jax.ShapeDtypeStruct((N_NODES, D), jnp.float32),
  )(neigh2, x, w, b2)


def kernel(x, edge_index, W, b):
  e32 = edge_index.astype(jnp.int32)
  x20 = x.reshape(N_NODES // 8, 8, NC, H).transpose(0, 2, 1, 3).reshape(
      N_NODES * 2, H
  )
  neigh2 = _sc_segment_sum(x20, e32[0], e32[1])
  return _dense(neigh2, x, W, b.reshape(1, D))

# --- scband reference (transcript-rebuilt; emitter-appended) ---
"""Pipeline reference for scband-ginlayer-20667382628417 (READ-ONLY COPY).

The authoritative reference and input builder live on the scoring server;
editing this copy changes nothing except your own understanding.
"""

import jax, jax.numpy as jnp
import numpy as np

EPSILON = 0.1
N_NODES = 10000
N_EDGES = 160000
D = 256

def setup_inputs(seed: int = 0) -> dict:
    key = jax.random.key(seed)
    k1, k2, k3, k4 = jax.random.split(key, 4)
    x = jax.random.normal(k1, (N_NODES, D), dtype=jnp.float32)
    edge_index = jax.random.randint(k2, (2, N_EDGES), 0, N_NODES, dtype=jnp.int64)
    # Linear(dimensionality, dimensionality) parameters (torch convention: y = x @ W.T + b)
    limit = 1.0 / np.sqrt(D)
    W = jax.random.uniform(k3, (D, D), minval=-limit, maxval=limit, dtype=jnp.float32)
    b = jax.random.uniform(k4, (D,), minval=-limit, maxval=limit, dtype=jnp.float32)
    return {"x": x, "edge_index": edge_index, "W": W, "b": b}

def reference(x, edge_index, W, b):
    # Tensorized GINLayer.forward: the dict-of-sets graph is expressed as
    # edge_index[0]=child(src), edge_index[1]=parent(dst).
    # Original math per node ds:
    #   own = (1+eps)*x[ds]
    #   aggregated = sum(children) + own        (own appended to children list)
    #   node_agg   = aggregated + own = sum(children) + 2*(1+eps)*x[ds]
    #   out = ReLU(Linear(node_agg))
    src = edge_index[0]
    dst = edge_index[1]
    msgs = jnp.take(x, src, axis=0)
    neigh_sum = jax.ops.segment_sum(msgs, dst, num_segments=x.shape[0])
    node_agg = neigh_sum + 2.0 * (1.0 + EPSILON) * x
    out = jnp.maximum(node_agg @ W.T + b, 0.0)
    return out

if __name__ == "__main__":
    import jax
    _d = setup_inputs()
    print(jax.jit(kernel)(*tuple(_d.values())))

</pallas_src>

<mosaic_0001>
#map = affine_map<(d0, d1) -> (0, 0)>
#map1 = affine_map<(d0, d1) -> (0)>
#map2 = affine_map<(d0, d1) -> (0, 0, 0)>
module attributes {stable_mosaic.version = 14 : i64} {
  func.func @_sc_segment_sum_body(%arg0: i32, %arg1: i32, %arg2: memref<20000x128xf32, #tpu.memory_space<hbm>>, %arg3: memref<160000xi32, #tpu.memory_space<hbm>>, %arg4: memref<160000xi32, #tpu.memory_space<hbm>>, %arg5: memref<2x10000x128xf32, #tpu.memory_space<hbm>>, %arg6: memref<10000xi32, #tpu.memory_space<vmem>>, %arg7: memref<80xi32, #tpu.memory_space<vmem>>, %arg8: memref<80xi32, #tpu.memory_space<vmem>>, %arg9: memref<80xi32, #tpu.memory_space<vmem>>, %arg10: memref<80x128xf32, #tpu.memory_space<vmem>>, %arg11: memref<80x128xf32, #tpu.memory_space<vmem>>, %arg12: memref<80x128xf32, #tpu.memory_space<vmem>>, %arg13: memref<10000x128xf32, #tpu.memory_space<vmem_shared>>, %arg14: memref<!tpu.dma_semaphore, #tpu.memory_space<semaphore_mem>>, %arg15: memref<!tpu.dma_semaphore, #tpu.memory_space<semaphore_mem>>, %arg16: memref<!tpu.dma_semaphore, #tpu.memory_space<semaphore_mem>>, %arg17: memref<!tpu.dma_semaphore, #tpu.memory_space<semaphore_mem>>, %arg18: memref<!tpu.dma_semaphore, #tpu.memory_space<semaphore_mem>>, %arg19: memref<!tpu.dma_semaphore, #tpu.memory_space<semaphore_mem>>, %arg20: memref<!tpu.dma_semaphore, #tpu.memory_space<semaphore_mem>>, %arg21: memref<!tpu.dma_semaphore, #tpu.memory_space<semaphore_mem>>, %arg22: memref<!tpu.dma_semaphore, #tpu.memory_space<semaphore_mem>>) attributes {dimension_semantics = [#tpu.dimension_semantics<core_parallel>, #tpu.dimension_semantics<subcore_parallel>], iteration_bounds = array<i64: 2, 16>, scalar_prefetch = 0 : i64, scratch_operands = 17 : i64, tpu.core_type = #tpu.core_type<sc_vector_subcore>, window_params = [{transform_indices = #map}, {transform_indices = #map1}, {transform_indices = #map1}, {transform_indices = #map2}]} {
    %mul3A = arith.constant 8 : i32
    %mul3A_0 = arith.muli %arg0, %mul3A : i32
    %mul3A_1 = arith.constant 10000 : i32
    %mul3A_2 = arith.muli %arg1, %mul3A_1 : i32
    "tpu.region"() ({
      %run_scoped3A = tpu.sem_alloc : memref<!tpu.dma_semaphore, #tpu.memory_space<semaphore_mem>>
      %dma_start3A_352 = tpu.memref_slice %arg3[%mul3A_2] : memref<160000xi32, #tpu.memory_space<hbm>> -> memref<10000xi32, #tpu.memory_space<hbm>>
      %dma_start3A_353 = tpu.memref_slice %arg3[%mul3A_2] : memref<160000xi32, #tpu.memory_space<hbm>> -> memref<10000xi32, #tpu.memory_space<hbm>>
      tpu.enqueue_dma source(%dma_start3A_353 : memref<10000xi32, #tpu.memory_space<hbm>>) target(%arg6 : memref<10000xi32, #tpu.memory_space<vmem>>) target_semaphore(%run_scoped3A : memref<!tpu.dma_semaphore, #tpu.memory_space<semaphore_mem>>)
      %dma_wait3A_354 = tpu.memref_slice %arg3[%mul3A_2] : memref<160000xi32, #tpu.memory_space<hbm>> -> memref<10000xi32, #tpu.memory_space<hbm>>
      %dma_wait3A_355 = tpu.memref_slice %arg3[%mul3A_2] : memref<160000xi32, #tpu.memory_space<hbm>> -> memref<10000xi32, #tpu.memory_space<hbm>>
      tpu.wait_dma2 semaphore(%run_scoped3A : memref<!tpu.dma_semaphore, #tpu.memory_space<semaphore_mem>>) src(%dma_wait3A_355 : memref<10000xi32, #tpu.memory_space<hbm>>) dst(%arg6 : memref<10000xi32, #tpu.memory_space<vmem>>)
      tpu.yield
    }) : () -> ()
    %scan3A = arith.constant 0 : i32
    %scan3A_3 = arith.constant 0 : i32
    %scan3A_4 = arith.constant 125 : i32
    %scan3A_5 = arith.addi %scan3A_3, %scan3A_4 : i32
    %scan3A_6 = arith.constant 1 : i32
    %scan3A_7 = scf.for %scan3A_352 = %scan3A_3 to %scan3A_5 step %scan3A_6 iter_args(%scan3A_353 = %scan3A) -> (i32)  : i32 {
      %mul3A_354 = arith.constant 80 : i32
      %mul3A_355 = arith.muli %scan3A_352, %mul3A_354 : i32
      %add3A_356 = arith.constant 0 : i32
      %add3A_357 = arith.addi %mul3A_355, %add3A_356 : i32
      %get3A = arith.index_cast %add3A_357 : i32 to index
      %get3A_358 = tpu.vector_load %arg6[%get3A] {strides = array<i32>} : memref<10000xi32, #tpu.memory_space<vmem>>, vector<16xi32>,
      %get3A_359 = vector.shape_cast %get3A_358 : vector<16xi32> to vector<16xi32>
      %shift_right_arithmetic3A = arith.constant 3 : i32
      %shift_right_arithmetic3A_360 = vector.broadcast %shift_right_arithmetic3A : i32 to vector<16xi32>
      %shift_right_arithmetic3A_361 = arith.shrsi %get3A_359, %shift_right_arithmetic3A_360 : vector<16xi32>
      %shift_left3A = arith.constant 4 : i32
      %shift_left3A_362 = vector.broadcast %shift_left3A : i32 to vector<16xi32>
      %shift_left3A_363 = arith.shli %shift_right_arithmetic3A_361, %shift_left3A_362 : vector<16xi32>
      %and3A = arith.constant 7 : i32
      %and3A_364 = vector.broadcast %and3A : i32 to vector<16xi32>
      %and3A_365 = arith.andi %get3A_359, %and3A_364 : vector<16xi32>
      %or3A = arith.ori %shift_left3A_363, %and3A_365 : vector<16xi32>
      %or3A_366 = vector.broadcast %mul3A_0 : i32 to vector<16xi32>
      %or3A_367 = arith.ori %or3A, %or3A_366 : vector<16xi32>
      %mul3A_368 = arith.constant 80 : i32
      %mul3A_369 = arith.muli %scan3A_352, %mul3A_368 : i32
      %add3A_370 = arith.constant 0 : i32
      %add3A_371 = arith.addi %mul3A_369, %add3A_370 : i32
      %swap3A = arith.index_cast %add3A_371 : i32 to index
      %swap3A_372 = tpu.vector_load %arg6[%swap3A] {strides = array<i32>} : memref<10000xi32, #tpu.memory_space<vmem>>, vector<16xi32>,
      %swap3A_373 = vector.shape_cast %swap3A_372 : vector<16xi32> to vector<16xi32>
      %swap3A_374 = vector.shape_cast %or3A_367 : vector<16xi32> to vector<16xi32>
      tpu.vector_store %arg6[%swap3A], %swap3A_374 {strides = array<i32>} : memref<10000xi32, #tpu.memory_space<vmem>>, vector<16xi32>,
      %mul3A_375 = arith.constant 80 : i32
      %mul3A_376 = arith.muli %scan3A_352, %mul3A_375 : i32
      %add3A_377 = arith.constant 16 : i32
      %add3A_378 = arith.addi %mul3A_376, %add3A_377 : i32
      %get3A_379 = arith.index_cast %add3A_378 : i32 to index
      %get3A_380 = tpu.vector_load %arg6[%get3A_379] {strides = array<i32>} : memref<10000xi32, #tpu.memory_space<vmem>>, vector<16xi32>,
      %get3A_381 = vector.shape_cast %get3A_380 : vector<16xi32> to vector<16xi32>
      %shift_right_arithmetic3A_382 = arith.constant 3 : i32
      %shift_right_arithmetic3A_383 = vector.broadcast %shift_right_arithmetic3A_382 : i32 to vector<16xi32>
      %shift_right_arithmetic3A_384 = arith.shrsi %get3A_381, %shift_right_arithmetic3A_383 : vector<16xi32>
      %shift_left3A_385 = arith.constant 4 : i32
      %shift_left3A_386 = vector.broadcast %shift_left3A_385 : i32 to vector<16xi32>
      %shift_left3A_387 = arith.shli %shift_right_arithmetic3A_384, %shift_left3A_386 : vector<16xi32>
      %and3A_388 = arith.constant 7 : i32
      %and3A_389 = vector.broadcast %and3A_388 : i32 to vector<16xi32>
      %and3A_390 = arith.andi %get3A_381, %and3A_389 : vector<16xi32>
      %or3A_391 = arith.ori %shift_left3A_387, %and3A_390 : vector<16xi32>
      %or3A_392 = vector.broadcast %mul3A_0 : i32 to vector<16xi32>
      %or3A_393 = arith.ori %or3A_391, %or3A_392 : vector<16xi32>
      %mul3A_394 = arith.constant 80 : i32
      %mul3A_395 = arith.muli %scan3A_352, %mul3A_394 : i32
      %add3A_396 = arith.constant 16 : i32
      %add3A_397 = arith.addi %mul3A_395, %add3A_396 : i32
      %swap3A_398 = arith.index_cast %add3A_397 : i32 to index
      %swap3A_399 = tpu.vector_load %arg6[%swap3A_398] {strides = array<i32>} : memref<10000xi32, #tpu.memory_space<vmem>>, vector<16xi32>,
      %swap3A_400 = vector.shape_cast %swap3A_399 : vector<16xi32> to vector<16xi32>
      %swap3A_401 = vector.shape_cast %or3A_393 : vector<16xi32> to vector<16xi32>
      tpu.vector_store %arg6[%swap3A_398], %swap3A_401 {strides = array<i32>} : memref<10000xi32, #tpu.memory_space<vmem>>, vector<16xi32>,
      %mul3A_402 = arith.constant 80 : i32
      %mul3A_403 = arith.muli %scan3A_352, %mul3A_402 : i32
      %add3A_404 = arith.constant 32 : i32
      %add3A_405 = arith.addi %mul3A_403, %add3A_404 : i32
      %get3A_406 = arith.index_cast %add3A_405 : i32 to index
      %get3A_407 = tpu.vector_load %arg6[%get3A_406] {strides = array<i32>} : memref<10000xi32, #tpu.memory_space<vmem>>, vector<16xi32>,
      %get3A_408 = vector.shape_cast %get3A_407 : vector<16xi32> to vector<16xi32>
      %shift_right_arithmetic3A_409 = arith.constant 3 : i32
      %shift_right_arithmetic3A_410 = vector.broadcast %shift_right_arithmetic3A_409 : i32 to vector<16xi32>
      %shift_right_arithmetic3A_411 = arith.shrsi %get3A_408, %shift_right_arithmetic3A_410 : vector<16xi32>
      %shift_left3A_412 = arith.constant 4 : i32
      %shift_left3A_413 = vector.broadcast %shift_left3A_412 : i32 to vector<16xi32>
      %shift_left3A_414 = arith.shli %shift_right_arithmetic3A_411, %shift_left3A_413 : vector<16xi32>
      %and3A_415 = arith.constant 7 : i32
      %and3A_416 = vector.broadcast %and3A_415 : i32 to vector<16xi32>
      %and3A_417 = arith.andi %get3A_408, %and3A_416 : vector<16xi32>
      %or3A_418 = arith.ori %shift_left3A_414, %and3A_417 : vector<16xi32>
      %or3A_419 = vector.broadcast %mul3A_0 : i32 to vector<16xi32>
      %or3A_420 = arith.ori %or3A_418, %or3A_419 : vector<16xi32>
      %mul3A_421 = arith.constant 80 : i32
      %mul3A_422 = arith.muli %scan3A_352, %mul3A_421 : i32
      %add3A_423 = arith.constant 32 : i32
      %add3A_424 = arith.addi %mul3A_422, %add3A_423 : i32
      %swap3A_425 = arith.index_cast %add3A_424 : i32 to index
      %swap3A_426 = tpu.vector_load %arg6[%swap3A_425] {strides = array<i32>} : memref<10000xi32, #tpu.memory_space<vmem>>, vector<16xi32>,
      %swap3A_427 = vector.shape_cast %swap3A_426 : vector<16xi32> to vector<16xi32>
      %swap3A_428 = vector.shape_cast %or3A_420 : vector<16xi32> to vector<16xi32>
      tpu.vector_store %arg6[%swap3A_425], %swap3A_428 {strides = array<i32>} : memref<10000xi32, #tpu.memory_space<vmem>>, vector<16xi32>,
      %mul3A_429 = arith.constant 80 : i32
      %mul3A_430 = arith.muli %scan3A_352, %mul3A_429 : i32
      %add3A_431 = arith.constant 48 : i32
      %add3A_432 = arith.addi %mul3A_430, %add3A_431 : i32
      %get3A_433 = arith.index_cast %add3A_432 : i32 to index
      %get3A_434 = tpu.vector_load %arg6[%get3A_433] {strides = array<i32>} : memref<10000xi32, #tpu.memory_space<vmem>>, vector<16xi32>,
      %get3A_435 = vector.shape_cast %get3A_434 : vector<16xi32> to vector<16xi32>
      %shift_right_arithmetic3A_436 = arith.constant 3 : i32
      %shift_right_arithmetic3A_437 = vector.broadcast %shift_right_arithmetic3A_436 : i32 to vector<16xi32>
      %shift_right_arithmetic3A_438 = arith.shrsi %get3A_435, %shift_right_arithmetic3A_437 : vector<16xi32>
      %shift_left3A_439 = arith.constant 4 : i32
      %shift_left3A_440 = vector.broadcast %shift_left3A_439 : i32 to vector<16xi32>
      %shift_left3A_441 = arith.shli %shift_right_arithmetic3A_438, %shift_left3A_440 : vector<16xi32>
      %and3A_442 = arith.constant 7 : i32
      %and3A_443 = vector.broadcast %and3A_442 : i32 to vector<16xi32>
      %and3A_444 = arith.andi %get3A_435, %and3A_443 : vector<16xi32>
      %or3A_445 = arith.ori %shift_left3A_441, %and3A_444 : vector<16xi32>
      %or3A_446 = vector.broadcast %mul3A_0 : i32 to vector<16xi32>
      %or3A_447 = arith.ori %or3A_445, %or3A_446 : vector<16xi32>
      %mul3A_448 = arith.constant 80 : i32
      %mul3A_449 = arith.muli %scan3A_352, %mul3A_448 : i32
      %add3A_450 = arith.constant 48 : i32
      %add3A_451 = arith.addi %mul3A_449, %add3A_450 : i32
      %swap3A_452 = arith.index_cast %add3A_451 : i32 to index
      %swap3A_453 = tpu.vector_load %arg6[%swap3A_452] {strides = array<i32>} : memref<10000xi32, #tpu.memory_space<vmem>>, vector<16xi32>,
      %swap3A_454 = vector.shape_cast %swap3A_453 : vector<16xi32> to vector<16xi32>
      %swap3A_455 = vector.shape_cast %or3A_447 : vector<16xi32> to vector<16xi32>
      tpu.vector_store %arg6[%swap3A_452], %swap3A_455 {strides = array<i32>} : memref<10000xi32, #tpu.memory_space<vmem>>, vector<16xi32>,
      %mul3A_456 = arith.constant 80 : i32
      %mul3A_457 = arith.muli %scan3A_352, %mul3A_456 : i32
      %add3A_458 = arith.constant 64 : i32
      %add3A_459 = arith.addi %mul3A_457, %add3A_458 : i32
      %get3A_460 = arith.index_cast %add3A_459 : i32 to index
      %get3A_461 = tpu.vector_load %arg6[%get3A_460] {strides = array<i32>} : memref<10000xi32, #tpu.memory_space<vmem>>, vector<16xi32>,
      %get3A_462 = vector.shape_cast %get3A_461 : vector<16xi32> to vector<16xi32>
      %shift_right_arithmetic3A_463 = arith.constant 3 : i32
      %shift_right_arithmetic3A_464 = vector.broadcast %shift_right_arithmetic3A_463 : i32 to vector<16xi32>
      %shift_right_arithmetic3A_465 = arith.shrsi %get3A_462, %shift_right_arithmetic3A_464 : vector<16xi32>
      %shift_left3A_466 = arith.constant 4 : i32
      %shift_left3A_467 = vector.broadcast %shift_left3A_466 : i32 to vector<16xi32>
      %shift_left3A_468 = arith.shli %shift_right_arithmetic3A_465, %shift_left3A_467 : vector<16xi32>
      %and3A_469 = arith.constant 7 : i32
      %and3A_470 = vector.broadcast %and3A_469 : i32 to vector<16xi32>
      %and3A_471 = arith.andi %get3A_462, %and3A_470 : vector<16xi32>
      %or3A_472 = arith.ori %shift_left3A_468, %and3A_471 : vector<16xi32>
      %or3A_473 = vector.broadcast %mul3A_0 : i32 to vector<16xi32>
      %or3A_474 = arith.ori %or3A_472, %or3A_473 : vector<16xi32>
      %mul3A_475 = arith.constant 80 : i32
      %mul3A_476 = arith.muli %scan3A_352, %mul3A_475 : i32
      %add3A_477 = arith.constant 64 : i32
      %add3A_478 = arith.addi %mul3A_476, %add3A_477 : i32
      %swap3A_479 = arith.index_cast %add3A_478 : i32 to index
      %swap3A_480 = tpu.vector_load %arg6[%swap3A_479] {strides = array<i32>} : memref<10000xi32, #tpu.memory_space<vmem>>, vector<16xi32>,
      %swap3A_481 = vector.shape_cast %swap3A_480 : vector<16xi32> to vector<16xi32>
      %swap3A_482 = vector.shape_cast %or3A_474 : vector<16xi32> to vector<16xi32>
      tpu.vector_store %arg6[%swap3A_479], %swap3A_482 {strides = array<i32>} : memref<10000xi32, #tpu.memory_space<vmem>>, vector<16xi32>,
      %scan3A_483 = arith.constant 0 : i32
      scf.yield %scan3A_483 : i32
    }
    %scan3A_8 = arith.constant 125 : i32
    %broadcast_in_dim3A = arith.constant 0.000000e+00 : f32
    %broadcast_in_dim3A_9 = vector.broadcast %broadcast_in_dim3A : f32 to vector<16xf32>
    %scan3A_10 = arith.constant 0 : i32
    %scan3A_11 = arith.constant 0 : i32
    %scan3A_12 = arith.constant 80 : i32
    %scan3A_13 = arith.addi %scan3A_11, %scan3A_12 : i32
    %scan3A_14 = arith.constant 1 : i32
    %scan3A_15 = scf.for %scan3A_352 = %scan3A_11 to %scan3A_13 step %scan3A_14 iter_args(%scan3A_353 = %scan3A_10) -> (i32)  : i32 {
      %swap3A = arith.index_cast %scan3A_352 : i32 to index
      %swap3A_354 = arith.constant 0 : index
      %swap3A_355 = tpu.vector_load %arg10[%swap3A, %swap3A_354] {strides = array<i32>} : memref<80x128xf32, #tpu.memory_space<vmem>>, vector<1x16xf32>,
      %swap3A_356 = vector.shape_cast %swap3A_355 : vector<1x16xf32> to vector<16xf32>
      %swap3A_357 = vector.shape_cast %broadcast_in_dim3A_9 : vector<16xf32> to vector<1x16xf32>
      tpu.vector_store %arg10[%swap3A, %swap3A_354], %swap3A_357 {strides = array<i32>} : memref<80x128xf32, #tpu.memory_space<vmem>>, vector<1x16xf32>,
      %swap3A_358 = arith.index_cast %scan3A_352 : i32 to index
      %swap3A_359 = arith.constant 16 : index
      %swap3A_360 = tpu.vector_load %arg10[%swap3A_358, %swap3A_359] {strides = array<i32>} : memref<80x128xf32, #tpu.memory_space<vmem>>, vector<1x16xf32>,
      %swap3A_361 = vector.shape_cast %swap3A_360 : vector<1x16xf32> to vector<16xf32>
      %swap3A_362 = vector.shape_cast %broadcast_in_dim3A_9 : vector<16xf32> to vector<1x16xf32>
      tpu.vector_store %arg10[%swap3A_358, %swap3A_359], %swap3A_362 {strides = array<i32>} : memref<80x128xf32, #tpu.memory_space<vmem>>, vector<1x16xf32>,
      %swap3A_363 = arith.index_cast %scan3A_352 : i32 to index
      %swap3A_364 = arith.constant 32 : index
      %swap3A_365 = tpu.vector_load %arg10[%swap3A_363, %swap3A_364] {strides = array<i32>} : memref<80x128xf32, #tpu.memory_space<vmem>>, vector<1x16xf32>,
      %swap3A_366 = vector.shape_cast %swap3A_365 : vector<1x16xf32> to vector<16xf32>
      %swap3A_367 = vector.shape_cast %broadcast_in_dim3A_9 : vector<16xf32> to vector<1x16xf32>
      tpu.vector_store %arg10[%swap3A_363, %swap3A_364], %swap3A_367 {strides = array<i32>} : memref<80x128xf32, #tpu.memory_space<vmem>>, vector<1x16xf32>,
      %swap3A_368 = arith.index_cast %scan3A_352 : i32 to index
      %swap3A_369 = arith.constant 48 : index
      %swap3A_370 = tpu.vector_load %arg10[%swap3A_368, %swap3A_369] {strides = array<i32>} : memref<80x128xf32, #tpu.memory_space<vmem>>, vector<1x16xf32>,
      %swap3A_371 = vector.shape_cast %swap3A_370 : vector<1x16xf32> to vector<16xf32>
      %swap3A_372 = vector.shape_cast %broadcast_in_dim3A_9 : vector<16xf32> to vector<1x16xf32>
      tpu.vector_store %arg10[%swap3A_368, %swap3A_369], %swap3A_372 {strides = array<i32>} : memref<80x128xf32, #tpu.memory_space<vmem>>, vector<1x16xf32>,
      %swap3A_373 = arith.index_cast %scan3A_352 : i32 to index
      %swap3A_374 = arith.constant 64 : index
      %swap3A_375 = tpu.vector_load %arg10[%swap3A_373, %swap3A_374] {strides = array<i32>} : memref<80x128xf32, #tpu.memory_space<vmem>>, vector<1x16xf32>,
      %swap3A_376 = vector.shape_cast %swap3A_375 : vector<1x16xf32> to vector<16xf32>
      %swap3A_377 = vector.shape_cast %broadcast_in_dim3A_9 : vector<16xf32> to vector<1x16xf32>
      tpu.vector_store %arg10[%swap3A_373, %swap3A_374], %swap3A_377 {strides = array<i32>} : memref<80x128xf32, #tpu.memory_space<vmem>>, vector<1x16xf32>,
      %swap3A_378 = arith.index_cast %scan3A_352 : i32 to index
      %swap3A_379 = arith.constant 80 : index
      %swap3A_380 = tpu.vector_load %arg10[%swap3A_378, %swap3A_379] {strides = array<i32>} : memref<80x128xf32, #tpu.memory_space<vmem>>, vector<1x16xf32>,
      %swap3A_381 = vector.shape_cast %swap3A_380 : vector<1x16xf32> to vector<16xf32>
      %swap3A_382 = vector.shape_cast %broadcast_in_dim3A_9 : vector<16xf32> to vector<1x16xf32>
      tpu.vector_store %arg10[%swap3A_378, %swap3A_379], %swap3A_382 {strides = array<i32>} : memref<80x128xf32, #tpu.memory_space<vmem>>, vector<1x16xf32>,
      %swap3A_383 = arith.index_cast %scan3A_352 : i32 to index
      %swap3A_384 = arith.constant 96 : index
      %swap3A_385 = tpu.vector_load %arg10[%swap3A_383, %swap3A_384] {strides = array<i32>} : memref<80x128xf32, #tpu.memory_space<vmem>>, vector<1x16xf32>,
      %swap3A_386 = vector.shape_cast %swap3A_385 : vector<1x16xf32> to vector<16xf32>
      %swap3A_387 = vector.shape_cast %broadcast_in_dim3A_9 : vector<16xf32> to vector<1x16xf32>
      tpu.vector_store %arg10[%swap3A_383, %swap3A_384], %swap3A_387 {strides = array<i32>} : memref<80x128xf32, #tpu.memory_space<vmem>>, vector<1x16xf32>,
      %swap3A_388 = arith.index_cast %scan3A_352 : i32 to index
      %swap3A_389 = arith.constant 112 : index
      %swap3A_390 = tpu.vector_load %arg10[%swap3A_388, %swap3A_389] {strides = array<i32>} : memref<80x128xf32, #tpu.memory_space<vmem>>, vector<1x16xf32>,
      %swap3A_391 = vector.shape_cast %swap3A_390 : vector<1x16xf32> to vector<16xf32>
      %swap3A_392 = vector.shape_cast %broadcast_in_dim3A_9 : vector<16xf32> to vector<1x16xf32>
      tpu.vector_store %arg10[%swap3A_388, %swap3A_389], %swap3A_392 {strides = array<i32>} : memref<80x128xf32, #tpu.memory_space<vmem>>, vector<1x16xf32>,
      %scan3A_393 = arith.constant 0 : i32
      scf.yield %scan3A_393 : i32
    }
    %scan3A_16 = arith.constant 80 : i32
    %add3A = arith.constant 0 : i32
    %add3A_17 = arith.addi %arg1, %add3A : i32
    %lt3A = arith.constant 125 : i32
    %lt3A_18 = arith.cmpi slt, %add3A_17, %lt3A : i32
    %convert_element_type3A = arith.extui %lt3A_18 : i1 to i32
    %cond3A = arith.constant 0 : i32
    %cond3A_19 = arith.cmpi ne, %convert_element_type3A, %cond3A : i32
    scf.if %cond3A_19 {
      %mul3A_352 = arith.constant 80 : i32
      %mul3A_353 = arith.muli %add3A_17, %mul3A_352 : i32
      %dma_start3A_354 = arith.constant 0 : i32
      %dma_start3A_355 = tpu.memref_slice %arg13[%mul3A_353, %dma_start3A_354] : memref<10000x128xf32, #tpu.memory_space<vmem_shared>> -> memref<80x128xf32, #tpu.memory_space<vmem_shared>>
      %dma_start3A_356 = arith.constant 0 : i32
      %dma_start3A_357 = tpu.memref_slice %arg13[%mul3A_353, %dma_start3A_356] : memref<10000x128xf32, #tpu.memory_space<vmem_shared>> -> memref<80x128xf32, #tpu.memory_space<vmem_shared>>
      tpu.enqueue_dma source(%arg10 : memref<80x128xf32, #tpu.memory_space<vmem>>) target(%dma_start3A_357 : memref<80x128xf32, #tpu.memory_space<vmem_shared>>) target_semaphore(%arg14 : memref<!tpu.dma_semaphore, #tpu.memory_space<semaphore_mem>>)
    } else {
    }
    %add3A_20 = arith.constant 16 : i32
    %add3A_21 = arith.addi %arg1, %add3A_20 : i32
    %lt3A_22 = arith.constant 125 : i32
    %lt3A_23 = arith.cmpi slt, %add3A_21, %lt3A_22 : i32
    %convert_element_type3A_24 = arith.extui %lt3A_23 : i1 to i32
    %cond3A_25 = arith.constant 0 : i32
    %cond3A_26 = arith.cmpi ne, %convert_element_type3A_24, %cond3A_25 : i32
    scf.if %cond3A_26 {
      %mul3A_352 = arith.constant 80 : i32
      %mul3A_353 = arith.muli %add3A_21, %mul3A_352 : i32
      %dma_start3A_354 = arith.constant 0 : i32
      %dma_start3A_355 = tpu.memref_slice %arg13[%mul3A_353, %dma_start3A_354] : memref<10000x128xf32, #tpu.memory_space<vmem_shared>> -> memref<80x128xf32, #tpu.memory_space<vmem_shared>>
      %dma_start3A_356 = arith.constant 0 : i32
      %dma_start3A_357 = tpu.memref_slice %arg13[%mul3A_353, %dma_start3A_356] : memref<10000x128xf32, #tpu.memory_space<vmem_shared>> -> memref<80x128xf32, #tpu.memory_space<vmem_shared>>
      tpu.enqueue_dma source(%arg10 : memref<80x128xf32, #tpu.memory_space<vmem>>) target(%dma_start3A_357 : memref<80x128xf32, #tpu.memory_space<vmem_shared>>) target_semaphore(%arg14 : memref<!tpu.dma_semaphore, #tpu.memory_space<semaphore_mem>>)
    } else {
    }
    %add3A_27 = arith.constant 32 : i32
    %add3A_28 = arith.addi %arg1, %add3A_27 : i32
    %lt3A_29 = arith.constant 125 : i32
    %lt3A_30 = arith.cmpi slt, %add3A_28, %lt3A_29 : i32
    %convert_element_type3A_31 = arith.extui %lt3A_30 : i1 to i32
    %cond3A_32 = arith.constant 0 : i32
    %cond3A_33 = arith.cmpi ne, %convert_element_type3A_31, %cond3A_32 : i32
    scf.if %cond3A_33 {
      %mul3A_352 = arith.constant 80 : i32
      %mul3A_353 = arith.muli %add3A_28, %mul3A_352 : i32
      %dma_start3A_354 = arith.constant 0 : i32
      %dma_start3A_355 = tpu.memref_slice %arg13[%mul3A_353, %dma_start3A_354] : memref<10000x128xf32, #tpu.memory_space<vmem_shared>> -> memref<80x128xf32, #tpu.memory_space<vmem_shared>>
      %dma_start3A_356 = arith.constant 0 : i32
      %dma_start3A_357 = tpu.memref_slice %arg13[%mul3A_353, %dma_start3A_356] : memref<10000x128xf32, #tpu.memory_space<vmem_shared>> -> memref<80x128xf32, #tpu.memory_space<vmem_shared>>
      tpu.enqueue_dma source(%arg10 : memref<80x128xf32, #tpu.memory_space<vmem>>) target(%dma_start3A_357 : memref<80x128xf32, #tpu.memory_space<vmem_shared>>) target_semaphore(%arg14 : memref<!tpu.dma_semaphore, #tpu.memory_space<semaphore_mem>>)
    } else {
    }
    %add3A_34 = arith.constant 48 : i32
    %add3A_35 = arith.addi %arg1, %add3A_34 : i32
    %lt3A_36 = arith.constant 125 : i32
    %lt3A_37 = arith.cmpi slt, %add3A_35, %lt3A_36 : i32
    %convert_element_type3A_38 = arith.extui %lt3A_37 : i1 to i32
    %cond3A_39 = arith.constant 0 : i32
    %cond3A_40 = arith.cmpi ne, %convert_element_type3A_38, %cond3A_39 : i32
    scf.if %cond3A_40 {
      %mul3A_352 = arith.constant 80 : i32
      %mul3A_353 = arith.muli %add3A_35, %mul3A_352 : i32
      %dma_start3A_354 = arith.constant 0 : i32
      %dma_start3A_355 = tpu.memref_slice %arg13[%mul3A_353, %dma_start3A_354] : memref<10000x128xf32, #tpu.memory_space<vmem_shared>> -> memref<80x128xf32, #tpu.memory_space<vmem_shared>>
      %dma_start3A_356 = arith.constant 0 : i32
      %dma_start3A_357 = tpu.memref_slice %arg13[%mul3A_353, %dma_start3A_356] : memref<10000x128xf32, #tpu.memory_space<vmem_shared>> -> memref<80x128xf32, #tpu.memory_space<vmem_shared>>
      tpu.enqueue_dma source(%arg10 : memref<80x128xf32, #tpu.memory_space<vmem>>) target(%dma_start3A_357 : memref<80x128xf32, #tpu.memory_space<vmem_shared>>) target_semaphore(%arg14 : memref<!tpu.dma_semaphore, #tpu.memory_space<semaphore_mem>>)
    } else {
    }
    %add3A_41 = arith.constant 64 : i32
    %add3A_42 = arith.addi %arg1, %add3A_41 : i32
    %lt3A_43 = arith.constant 125 : i32
    %lt3A_44 = arith.cmpi slt, %add3A_42, %lt3A_43 : i32
    %convert_element_type3A_45 = arith.extui %lt3A_44 : i1 to i32
    %cond3A_46 = arith.constant 0 : i32
    %cond3A_47 = arith.cmpi ne, %convert_element_type3A_45, %cond3A_46 : i32
    scf.if %cond3A_47 {
      %mul3A_352 = arith.constant 80 : i32
      %mul3A_353 = arith.muli %add3A_42, %mul3A_352 : i32
      %dma_start3A_354 = arith.constant 0 : i32
      %dma_start3A_355 = tpu.memref_slice %arg13[%mul3A_353, %dma_start3A_354] : memref<10000x128xf32, #tpu.memory_space<vmem_shared>> -> memref<80x128xf32, #tpu.memory_space<vmem_shared>>
      %dma_start3A_356 = arith.constant 0 : i32
      %dma_start3A_357 = tpu.memref_slice %arg13[%mul3A_353, %dma_start3A_356] : memref<10000x128xf32, #tpu.memory_space<vmem_shared>> -> memref<80x128xf32, #tpu.memory_space<vmem_shared>>
      tpu.enqueue_dma source(%arg10 : memref<80x128xf32, #tpu.memory_space<vmem>>) target(%dma_start3A_357 : memref<80x128xf32, #tpu.memory_space<vmem_shared>>) target_semaphore(%arg14 : memref<!tpu.dma_semaphore, #tpu.memory_space<semaphore_mem>>)
    } else {
    }
    %add3A_48 = arith.constant 80 : i32
    %add3A_49 = arith.addi %arg1, %add3A_48 : i32
    %lt3A_50 = arith.constant 125 : i32
    %lt3A_51 = arith.cmpi slt, %add3A_49, %lt3A_50 : i32
    %convert_element_type3A_52 = arith.extui %lt3A_51 : i1 to i32
    %cond3A_53 = arith.constant 0 : i32
    %cond3A_54 = arith.cmpi ne, %convert_element_type3A_52, %cond3A_53 : i32
    scf.if %cond3A_54 {
      %mul3A_352 = arith.constant 80 : i32
      %mul3A_353 = arith.muli %add3A_49, %mul3A_352 : i32
      %dma_start3A_354 = arith.constant 0 : i32
      %dma_start3A_355 = tpu.memref_slice %arg13[%mul3A_353, %dma_start3A_354] : memref<10000x128xf32, #tpu.memory_space<vmem_shared>> -> memref<80x128xf32, #tpu.memory_space<vmem_shared>>
      %dma_start3A_356 = arith.constant 0 : i32
      %dma_start3A_357 = tpu.memref_slice %arg13[%mul3A_353, %dma_start3A_356] : memref<10000x128xf32, #tpu.memory_space<vmem_shared>> -> memref<80x128xf32, #tpu.memory_space<vmem_shared>>
      tpu.enqueue_dma source(%arg10 : memref<80x128xf32, #tpu.memory_space<vmem>>) target(%dma_start3A_357 : memref<80x128xf32, #tpu.memory_space<vmem_shared>>) target_semaphore(%arg14 : memref<!tpu.dma_semaphore, #tpu.memory_space<semaphore_mem>>)
    } else {
    }
    %add3A_55 = arith.constant 96 : i32
    %add3A_56 = arith.addi %arg1, %add3A_55 : i32
    %lt3A_57 = arith.constant 125 : i32
    %lt3A_58 = arith.cmpi slt, %add3A_56, %lt3A_57 : i32
    %convert_element_type3A_59 = arith.extui %lt3A_58 : i1 to i32
    %cond3A_60 = arith.constant 0 : i32
    %cond3A_61 = arith.cmpi ne, %convert_element_type3A_59, %cond3A_60 : i32
    scf.if %cond3A_61 {
      %mul3A_352 = arith.constant 80 : i32
      %mul3A_353 = arith.muli %add3A_56, %mul3A_352 : i32
      %dma_start3A_354 = arith.constant 0 : i32
      %dma_start3A_355 = tpu.memref_slice %arg13[%mul3A_353, %dma_start3A_354] : memref<10000x128xf32, #tpu.memory_space<vmem_shared>> -> memref<80x128xf32, #tpu.memory_space<vmem_shared>>
      %dma_start3A_356 = arith.constant 0 : i32
      %dma_start3A_357 = tpu.memref_slice %arg13[%mul3A_353, %dma_start3A_356] : memref<10000x128xf32, #tpu.memory_space<vmem_shared>> -> memref<80x128xf32, #tpu.memory_space<vmem_shared>>
      tpu.enqueue_dma source(%arg10 : memref<80x128xf32, #tpu.memory_space<vmem>>) target(%dma_start3A_357 : memref<80x128xf32, #tpu.memory_space<vmem_shared>>) target_semaphore(%arg14 : memref<!tpu.dma_semaphore, #tpu.memory_space<semaphore_mem>>)
    } else {
    }
    %add3A_62 = arith.constant 112 : i32
    %add3A_63 = arith.addi %arg1, %add3A_62 : i32
    %lt3A_64 = arith.constant 125 : i32
    %lt3A_65 = arith.cmpi slt, %add3A_63, %lt3A_64 : i32
    %convert_element_type3A_66 = arith.extui %lt3A_65 : i1 to i32
    %cond3A_67 = arith.constant 0 : i32
    %cond3A_68 = arith.cmpi ne, %convert_element_type3A_66, %cond3A_67 : i32
    scf.if %cond3A_68 {
      %mul3A_352 = arith.constant 80 : i32
      %mul3A_353 = arith.muli %add3A_63, %mul3A_352 : i32
      %dma_start3A_354 = arith.constant 0 : i32
      %dma_start3A_355 = tpu.memref_slice %arg13[%mul3A_353, %dma_start3A_354] : memref<10000x128xf32, #tpu.memory_space<vmem_shared>> -> memref<80x128xf32, #tpu.memory_space<vmem_shared>>
      %dma_start3A_356 = arith.constant 0 : i32
      %dma_start3A_357 = tpu.memref_slice %arg13[%mul3A_353, %dma_start3A_356] : memref<10000x128xf32, #tpu.memory_space<vmem_shared>> -> memref<80x128xf32, #tpu.memory_space<vmem_shared>>
      tpu.enqueue_dma source(%arg10 : memref<80x128xf32, #tpu.memory_space<vmem>>) target(%dma_start3A_357 : memref<80x128xf32, #tpu.memory_space<vmem_shared>>) target_semaphore(%arg14 : memref<!tpu.dma_semaphore, #tpu.memory_space<semaphore_mem>>)
    } else {
    }
    %add3A_69 = arith.constant 0 : i32
    %add3A_70 = arith.addi %arg1, %add3A_69 : i32
    %lt3A_71 = arith.constant 125 : i32
    %lt3A_72 = arith.cmpi slt, %add3A_70, %lt3A_71 : i32
    %convert_element_type3A_73 = arith.extui %lt3A_72 : i1 to i32
    %cond3A_74 = arith.constant 0 : i32
    %cond3A_75 = arith.cmpi ne, %convert_element_type3A_73, %cond3A_74 : i32
    scf.if %cond3A_75 {
      %dma_wait3A_352 = arith.constant 0 : i32
      %dma_wait3A_353 = arith.constant 0 : i32
      %dma_wait3A_354 = tpu.memref_slice %arg13[%dma_wait3A_352, %dma_wait3A_353] : memref<10000x128xf32, #tpu.memory_space<vmem_shared>> -> memref<80x128xf32, #tpu.memory_space<vmem_shared>>
      %dma_wait3A_355 = arith.constant 0 : i32
      %dma_wait3A_356 = arith.constant 0 : i32
      %dma_wait3A_357 = tpu.memref_slice %arg13[%dma_wait3A_355, %dma_wait3A_356] : memref<10000x128xf32, #tpu.memory_space<vmem_shared>> -> memref<80x128xf32, #tpu.memory_space<vmem_shared>>
      tpu.wait_dma2 semaphore(%arg14 : memref<!tpu.dma_semaphore, #tpu.memory_space<semaphore_mem>>) src(%arg10 : memref<80x128xf32, #tpu.memory_space<vmem>>) dst(%dma_wait3A_357 : memref<80x128xf32, #tpu.memory_space<vmem_shared>>)
    } else {
    }
    %add3A_76 = arith.constant 16 : i32
    %add3A_77 = arith.addi %arg1, %add3A_76 : i32
    %lt3A_78 = arith.constant 125 : i32
    %lt3A_79 = arith.cmpi slt, %add3A_77, %lt3A_78 : i32
    %convert_element_type3A_80 = arith.extui %lt3A_79 : i1 to i32
    %cond3A_81 = arith.constant 0 : i32
    %cond3A_82 = arith.cmpi ne, %convert_element_type3A_80, %cond3A_81 : i32
    scf.if %cond3A_82 {
      %dma_wait3A_352 = arith.constant 0 : i32
      %dma_wait3A_353 = arith.constant 0 : i32
      %dma_wait3A_354 = tpu.memref_slice %arg13[%dma_wait3A_352, %dma_wait3A_353] : memref<10000x128xf32, #tpu.memory_space<vmem_shared>> -> memref<80x128xf32, #tpu.memory_space<vmem_shared>>
      %dma_wait3A_355 = arith.constant 0 : i32
      %dma_wait3A_356 = arith.constant 0 : i32
      %dma_wait3A_357 = tpu.memref_slice %arg13[%dma_wait3A_355, %dma_wait3A_356] : memref<10000x128xf32, #tpu.memory_space<vmem_shared>> -> memref<80x128xf32, #tpu.memory_space<vmem_shared>>
      tpu.wait_dma2 semaphore(%arg14 : memref<!tpu.dma_semaphore, #tpu.memory_space<semaphore_mem>>) src(%arg10 : memref<80x128xf32, #tpu.memory_space<vmem>>) dst(%dma_wait3A_357 : memref<80x128xf32, #tpu.memory_space<vmem_shared>>)
    } else {
    }
    %add3A_83 = arith.constant 32 : i32
    %add3A_84 = arith.addi %arg1, %add3A_83 : i32
    %lt3A_85 = arith.constant 125 : i32
    %lt3A_86 = arith.cmpi slt, %add3A_84, %lt3A_85 : i32
    %convert_element_type3A_87 = arith.extui %lt3A_86 : i1 to i32
    %cond3A_88 = arith.constant 0 : i32
    %cond3A_89 = arith.cmpi ne, %convert_element_type3A_87, %cond3A_88 : i32
    scf.if %cond3A_89 {
      %dma_wait3A_352 = arith.constant 0 : i32
      %dma_wait3A_353 = arith.constant 0 : i32
      %dma_wait3A_354 = tpu.memref_slice %arg13[%dma_wait3A_352, %dma_wait3A_353] : memref<10000x128xf32, #tpu.memory_space<vmem_shared>> -> memref<80x128xf32, #tpu.memory_space<vmem_shared>>
      %dma_wait3A_355 = arith.constant 0 : i32
      %dma_wait3A_356 = arith.constant 0 : i32
      %dma_wait3A_357 = tpu.memref_slice %arg13[%dma_wait3A_355, %dma_wait3A_356] : memref<10000x128xf32, #tpu.memory_space<vmem_shared>> -> memref<80x128xf32, #tpu.memory_space<vmem_shared>>
      tpu.wait_dma2 semaphore(%arg14 : memref<!tpu.dma_semaphore, #tpu.memory_space<semaphore_mem>>) src(%arg10 : memref<80x128xf32, #tpu.memory_space<vmem>>) dst(%dma_wait3A_357 : memref<80x128xf32, #tpu.memory_space<vmem_shared>>)
    } else {
    }
    %add3A_90 = arith.constant 48 : i32
    %add3A_91 = arith.addi %arg1, %add3A_90 : i32
    %lt3A_92 = arith.constant 125 : i32
    %lt3A_93 = arith.cmpi slt, %add3A_91, %lt3A_92 : i32
    %convert_element_type3A_94 = arith.extui %lt3A_93 : i1 to i32
    %cond3A_95 = arith.constant 0 : i32
    %cond3A_96 = arith.cmpi ne, %convert_element_type3A_94, %cond3A_95 : i32
    scf.if %cond3A_96 {
      %dma_wait3A_352 = arith.constant 0 : i32
      %dma_wait3A_353 = arith.constant 0 : i32
      %dma_wait3A_354 = tpu.memref_slice %arg13[%dma_wait3A_352, %dma_wait3A_353] : memref<10000x128xf32, #tpu.memory_space<vmem_shared>> -> memref<80x128xf32, #tpu.memory_space<vmem_shared>>
      %dma_wait3A_355 = arith.constant 0 : i32
      %dma_wait3A_356 = arith.constant 0 : i32
      %dma_wait3A_357 = tpu.memref_slice %arg13[%dma_wait3A_355, %dma_wait3A_356] : memref<10000x128xf32, #tpu.memory_space<vmem_shared>> -> memref<80x128xf32, #tpu.memory_space<vmem_shared>>
      tpu.wait_dma2 semaphore(%arg14 : memref<!tpu.dma_semaphore, #tpu.memory_space<semaphore_mem>>) src(%arg10 : memref<80x128xf32, #tpu.memory_space<vmem>>) dst(%dma_wait3A_357 : memref<80x128xf32, #tpu.memory_space<vmem_shared>>)
    } else {
    }
    %add3A_97 = arith.constant 64 : i32
    %add3A_98 = arith.addi %arg1, %add3A_97 : i32
    %lt3A_99 = arith.constant 125 : i32
    %lt3A_100 = arith.cmpi slt, %add3A_98, %lt3A_99 : i32
    %convert_element_type3A_101 = arith.extui %lt3A_100 : i1 to i32
    %cond3A_102 = arith.constant 0 : i32
    %cond3A_103 = arith.cmpi ne, %convert_element_type3A_101, %cond3A_102 : i32
    scf.if %cond3A_103 {
      %dma_wait3A_352 = arith.constant 0 : i32
      %dma_wait3A_353 = arith.constant 0 : i32
      %dma_wait3A_354 = tpu.memref_slice %arg13[%dma_wait3A_352, %dma_wait3A_353] : memref<10000x128xf32, #tpu.memory_space<vmem_shared>> -> memref<80x128xf32, #tpu.memory_space<vmem_shared>>
      %dma_wait3A_355 = arith.constant 0 : i32
      %dma_wait3A_356 = arith.constant 0 : i32
      %dma_wait3A_357 = tpu.memref_slice %arg13[%dma_wait3A_355, %dma_wait3A_356] : memref<10000x128xf32, #tpu.memory_space<vmem_shared>> -> memref<80x128xf32, #tpu.memory_space<vmem_shared>>
      tpu.wait_dma2 semaphore(%arg14 : memref<!tpu.dma_semaphore, #tpu.memory_space<semaphore_mem>>) src(%arg10 : memref<80x128xf32, #tpu.memory_space<vmem>>) dst(%dma_wait3A_357 : memref<80x128xf32, #tpu.memory_space<vmem_shared>>)
    } else {
    }
    %add3A_104 = arith.constant 80 : i32
    %add3A_105 = arith.addi %arg1, %add3A_104 : i32
    %lt3A_106 = arith.constant 125 : i32
    %lt3A_107 = arith.cmpi slt, %add3A_105, %lt3A_106 : i32
    %convert_element_type3A_108 = arith.extui %lt3A_107 : i1 to i32
    %cond3A_109 = arith.constant 0 : i32
    %cond3A_110 = arith.cmpi ne, %convert_element_type3A_108, %cond3A_109 : i32
    scf.if %cond3A_110 {
      %dma_wait3A_352 = arith.constant 0 : i32
      %dma_wait3A_353 = arith.constant 0 : i32
      %dma_wait3A_354 = tpu.memref_slice %arg13[%dma_wait3A_352, %dma_wait3A_353] : memref<10000x128xf32, #tpu.memory_space<vmem_shared>> -> memref<80x128xf32, #tpu.memory_space<vmem_shared>>
      %dma_wait3A_355 = arith.constant 0 : i32
      %dma_wait3A_356 = arith.constant 0 : i32
      %dma_wait3A_357 = tpu.memref_slice %arg13[%dma_wait3A_355, %dma_wait3A_356] : memref<10000x128xf32, #tpu.memory_space<vmem_shared>> -> memref<80x128xf32, #tpu.memory_space<vmem_shared>>
      tpu.wait_dma2 semaphore(%arg14 : memref<!tpu.dma_semaphore, #tpu.memory_space<semaphore_mem>>) src(%arg10 : memref<80x128xf32, #tpu.memory_space<vmem>>) dst(%dma_wait3A_357 : memref<80x128xf32, #tpu.memory_space<vmem_shared>>)
    } else {
    }
    %add3A_111 = arith.constant 96 : i32
    %add3A_112 = arith.addi %arg1, %add3A_111 : i32
    %lt3A_113 = arith.constant 125 : i32
    %lt3A_114 = arith.cmpi slt, %add3A_112, %lt3A_113 : i32
    %convert_element_type3A_115 = arith.extui %lt3A_114 : i1 to i32
    %cond3A_116 = arith.constant 0 : i32
    %cond3A_117 = arith.cmpi ne, %convert_element_type3A_115, %cond3A_116 : i32
    scf.if %cond3A_117 {
      %dma_wait3A_352 = arith.constant 0 : i32
      %dma_wait3A_353 = arith.constant 0 : i32
      %dma_wait3A_354 = tpu.memref_slice %arg13[%dma_wait3A_352, %dma_wait3A_353] : memref<10000x128xf32, #tpu.memory_space<vmem_shared>> -> memref<80x128xf32, #tpu.memory_space<vmem_shared>>
      %dma_wait3A_355 = arith.constant 0 : i32
      %dma_wait3A_356 = arith.constant 0 : i32
      %dma_wait3A_357 = tpu.memref_slice %arg13[%dma_wait3A_355, %dma_wait3A_356] : memref<10000x128xf32, #tpu.memory_space<vmem_shared>> -> memref<80x128xf32, #tpu.memory_space<vmem_shared>>
      tpu.wait_dma2 semaphore(%arg14 : memref<!tpu.dma_semaphore, #tpu.memory_space<semaphore_mem>>) src(%arg10 : memref<80x128xf32, #tpu.memory_space<vmem>>) dst(%dma_wait3A_357 : memref<80x128xf32, #tpu.memory_space<vmem_shared>>)
    } else {
    }
    %add3A_118 = arith.constant 112 : i32
    %add3A_119 = arith.addi %arg1, %add3A_118 : i32
    %lt3A_120 = arith.constant 125 : i32
    %lt3A_121 = arith.cmpi slt, %add3A_119, %lt3A_120 : i32
    %convert_element_type3A_122 = arith.extui %lt3A_121 : i1 to i32
    %cond3A_123 = arith.constant 0 : i32
    %cond3A_124 = arith.cmpi ne, %convert_element_type3A_122, %cond3A_123 : i32
    scf.if %cond3A_124 {
      %dma_wait3A_352 = arith.constant 0 : i32
      %dma_wait3A_353 = arith.constant 0 : i32
      %dma_wait3A_354 = tpu.memref_slice %arg13[%dma_wait3A_352, %dma_wait3A_353] : memref<10000x128xf32, #tpu.memory_space<vmem_shared>> -> memref<80x128xf32, #tpu.memory_space<vmem_shared>>
      %dma_wait3A_355 = arith.constant 0 : i32
      %dma_wait3A_356 = arith.constant 0 : i32
      %dma_wait3A_357 = tpu.memref_slice %arg13[%dma_wait3A_355, %dma_wait3A_356] : memref<10000x128xf32, #tpu.memory_space<vmem_shared>> -> memref<80x128xf32, #tpu.memory_space<vmem_shared>>
      tpu.wait_dma2 semaphore(%arg14 : memref<!tpu.dma_semaphore, #tpu.memory_space<semaphore_mem>>) src(%arg10 : memref<80x128xf32, #tpu.memory_space<vmem>>) dst(%dma_wait3A_357 : memref<80x128xf32, #tpu.memory_space<vmem_shared>>)
    } else {
    }
    %barrier3A = arith.constant 0 : index
    tpu.barrier barrier_id(%barrier3A)
    %mul3A_125 = arith.constant 10000 : i32
    %mul3A_126 = arith.muli %arg1, %mul3A_125 : i32
    %add3A_127 = arith.constant 0 : i32
    %add3A_128 = arith.addi %mul3A_126, %add3A_127 : i32
    %dma_start3A = tpu.memref_slice %arg4[%add3A_128] : memref<160000xi32, #tpu.memory_space<hbm>> -> memref<80xi32, #tpu.memory_space<hbm>>
    %dma_start3A_129 = tpu.memref_slice %arg4[%add3A_128] : memref<160000xi32, #tpu.memory_space<hbm>> -> memref<80xi32, #tpu.memory_space<hbm>>
    tpu.enqueue_dma source(%dma_start3A_129 : memref<80xi32, #tpu.memory_space<hbm>>) target(%arg7 : memref<80xi32, #tpu.memory_space<vmem>>) target_semaphore(%arg20 : memref<!tpu.dma_semaphore, #tpu.memory_space<semaphore_mem>>)
    %add3A_130 = arith.constant 80 : i32
    %add3A_131 = arith.addi %mul3A_126, %add3A_130 : i32
    %dma_start3A_132 = tpu.memref_slice %arg4[%add3A_131] : memref<160000xi32, #tpu.memory_space<hbm>> -> memref<80xi32, #tpu.memory_space<hbm>>
    %dma_start3A_133 = tpu.memref_slice %arg4[%add3A_131] : memref<160000xi32, #tpu.memory_space<hbm>> -> memref<80xi32, #tpu.memory_space<hbm>>
    tpu.enqueue_dma source(%dma_start3A_133 : memref<80xi32, #tpu.memory_space<hbm>>) target(%arg8 : memref<80xi32, #tpu.memory_space<vmem>>) target_semaphore(%arg21 : memref<!tpu.dma_semaphore, #tpu.memory_space<semaphore_mem>>)
    %dma_start3A_134 = arith.constant 0 : i32
    %dma_start3A_135 = tpu.memref_slice %arg6[%dma_start3A_134] : memref<10000xi32, #tpu.memory_space<vmem>> -> memref<80xi32, #tpu.memory_space<vmem>>
    %dma_start3A_136 = arith.constant 0 : i32
    %dma_start3A_137 = arith.constant 0 : i32
    %dma_start3A_138 = tpu.memref_slice %arg2[%dma_start3A_136, %dma_start3A_137] : memref<20000x128xf32, #tpu.memory_space<hbm>> -> memref<20000x128xf32, #tpu.memory_space<hbm>>
    tpu.enqueue_indirect_dma source(%dma_start3A_138 : memref<20000x128xf32, #tpu.memory_space<hbm>>) target(%arg10 : memref<80x128xf32, #tpu.memory_space<vmem>>) offsets(%dma_start3A_135 : memref<80xi32, #tpu.memory_space<vmem>>) semaphore(%arg14 : memref<!tpu.dma_semaphore, #tpu.memory_space<semaphore_mem>>)
    %dma_start3A_139 = arith.constant 80 : i32
    %dma_start3A_140 = tpu.memref_slice %arg6[%dma_start3A_139] : memref<10000xi32, #tpu.memory_space<vmem>> -> memref<80xi32, #tpu.memory_space<vmem>>
    %dma_start3A_141 = arith.constant 0 : i32
    %dma_start3A_142 = arith.constant 0 : i32
    %dma_start3A_143 = tpu.memref_slice %arg2[%dma_start3A_141, %dma_start3A_142] : memref<20000x128xf32, #tpu.memory_space<hbm>> -> memref<20000x128xf32, #tpu.memory_space<hbm>>
    tpu.enqueue_indirect_dma source(%dma_start3A_143 : memref<20000x128xf32, #tpu.memory_space<hbm>>) target(%arg11 : memref<80x128xf32, #tpu.memory_space<vmem>>) offsets(%dma_start3A_140 : memref<80xi32, #tpu.memory_space<vmem>>) semaphore(%arg15 : memref<!tpu.dma_semaphore, #tpu.memory_space<semaphore_mem>>)
    %scan3A_144 = arith.constant 0 : i32
    %scan3A_145 = arith.constant 0 : i32
    %scan3A_146 = arith.constant 41 : i32
    %scan3A_147 = arith.addi %scan3A_145, %scan3A_146 : i32
    %scan3A_148 = arith.constant 1 : i32
    %scan3A_149 = scf.for %scan3A_352 = %scan3A_145 to %scan3A_147 step %scan3A_148 iter_args(%scan3A_353 = %scan3A_144) -> (i32)  : i32 {
      %mul3A_354 = arith.constant 3 : i32
      %mul3A_355 = arith.muli %mul3A_354, %scan3A_352 : i32
      %add3A_356 = arith.constant 0 : i32
      %add3A_357 = arith.addi %mul3A_355, %add3A_356 : i32
      %dma_wait3A_358 = arith.constant 0 : i32
      %dma_wait3A_359 = tpu.memref_slice %arg6[%dma_wait3A_358] : memref<10000xi32, #tpu.memory_space<vmem>> -> memref<80xi32, #tpu.memory_space<vmem>>
      %dma_wait3A_360 = arith.constant 0 : i32
      %dma_wait3A_361 = arith.constant 0 : i32
      %dma_wait3A_362 = tpu.memref_slice %arg2[%dma_wait3A_360, %dma_wait3A_361] : memref<20000x128xf32, #tpu.memory_space<hbm>> -> memref<20000x128xf32, #tpu.memory_space<hbm>>
      tpu.wait_indirect_dma semaphore(%arg14 : memref<!tpu.dma_semaphore, #tpu.memory_space<semaphore_mem>>) src(%dma_wait3A_362 : memref<20000x128xf32, #tpu.memory_space<hbm>>) dst(%arg10 : memref<80x128xf32, #tpu.memory_space<vmem>>)
      %dma_wait3A_363 = arith.constant 0 : i32
      %dma_wait3A_364 = tpu.memref_slice %arg4[%dma_wait3A_363] : memref<160000xi32, #tpu.memory_space<hbm>> -> memref<80xi32, #tpu.memory_space<hbm>>
      %dma_wait3A_365 = arith.constant 0 : i32
      %dma_wait3A_366 = tpu.memref_slice %arg4[%dma_wait3A_365] : memref<160000xi32, #tpu.memory_space<hbm>> -> memref<80xi32, #tpu.memory_space<hbm>>
      tpu.wait_dma2 semaphore(%arg20 : memref<!tpu.dma_semaphore, #tpu.memory_space<semaphore_mem>>) src(%dma_wait3A_366 : memref<80xi32, #tpu.memory_space<hbm>>) dst(%arg7 : memref<80xi32, #tpu.memory_space<vmem>>)
      %dma_start3A_367 = arith.constant 0 : i32
      %dma_start3A_368 = arith.constant 0 : i32
      %dma_start3A_369 = tpu.memref_slice %arg13[%dma_start3A_367, %dma_start3A_368] : memref<10000x128xf32, #tpu.memory_space<vmem_shared>> -> memref<10000x128xf32, #tpu.memory_space<vmem_shared>>
      tpu.enqueue_indirect_dma source(%arg10 : memref<80x128xf32, #tpu.memory_space<vmem>>) target(%dma_start3A_369 : memref<10000x128xf32, #tpu.memory_space<vmem_shared>>) offsets(%arg7 : memref<80xi32, #tpu.memory_space<vmem>>) semaphore(%arg17 : memref<!tpu.dma_semaphore, #tpu.memory_space<semaphore_mem>>) {add = true}
      %ge3A = arith.constant 1 : i32
      %ge3A_370 = arith.cmpi sge, %add3A_357, %ge3A : i32
      %convert_element_type3A_371 = arith.extui %ge3A_370 : i1 to i32
      %cond3A_372 = arith.constant 0 : i32
      %cond3A_373 = arith.cmpi ne, %convert_element_type3A_371, %cond3A_372 : i32
      scf.if %cond3A_373 {
        %dma_wait3A_458 = arith.constant 0 : i32
        %dma_wait3A_459 = arith.constant 0 : i32
        %dma_wait3A_460 = tpu.memref_slice %arg13[%dma_wait3A_458, %dma_wait3A_459] : memref<10000x128xf32, #tpu.memory_space<vmem_shared>> -> memref<10000x128xf32, #tpu.memory_space<vmem_shared>>
        tpu.wait_indirect_dma semaphore(%arg19 : memref<!tpu.dma_semaphore, #tpu.memory_space<semaphore_mem>>) src(%arg12 : memref<80x128xf32, #tpu.memory_space<vmem>>) dst(%dma_wait3A_460 : memref<10000x128xf32, #tpu.memory_space<vmem_shared>>)
      } else {
      }
      %add3A_374 = arith.constant 2 : i32
      %add3A_375 = arith.addi %add3A_357, %add3A_374 : i32
      %mul3A_376 = arith.constant 80 : i32
      %mul3A_377 = arith.muli %add3A_375, %mul3A_376 : i32
      %add3A_378 = arith.addi %mul3A_126, %mul3A_377 : i32
      %dma_start3A_379 = tpu.memref_slice %arg4[%add3A_378] : memref<160000xi32, #tpu.memory_space<hbm>> -> memref<80xi32, #tpu.memory_space<hbm>>
      %dma_start3A_380 = tpu.memref_slice %arg4[%add3A_378] : memref<160000xi32, #tpu.memory_space<hbm>> -> memref<80xi32, #tpu.memory_space<hbm>>
      tpu.enqueue_dma source(%dma_start3A_380 : memref<80xi32, #tpu.memory_space<hbm>>) target(%arg9 : memref<80xi32, #tpu.memory_space<vmem>>) target_semaphore(%arg22 : memref<!tpu.dma_semaphore, #tpu.memory_space<semaphore_mem>>)
      %add3A_381 = arith.constant 2 : i32
      %add3A_382 = arith.addi %add3A_357, %add3A_381 : i32
      %mul3A_383 = arith.constant 80 : i32
      %mul3A_384 = arith.muli %add3A_382, %mul3A_383 : i32
      %dma_start3A_385 = tpu.memref_slice %arg6[%mul3A_384] : memref<10000xi32, #tpu.memory_space<vmem>> -> memref<80xi32, #tpu.memory_space<vmem>>
      %dma_start3A_386 = arith.constant 0 : i32
      %dma_start3A_387 = arith.constant 0 : i32
      %dma_start3A_388 = tpu.memref_slice %arg2[%dma_start3A_386, %dma_start3A_387] : memref<20000x128xf32, #tpu.memory_space<hbm>> -> memref<20000x128xf32, #tpu.memory_space<hbm>>
      tpu.enqueue_indirect_dma source(%dma_start3A_388 : memref<20000x128xf32, #tpu.memory_space<hbm>>) target(%arg12 : memref<80x128xf32, #tpu.memory_space<vmem>>) offsets(%dma_start3A_385 : memref<80xi32, #tpu.memory_space<vmem>>) semaphore(%arg16 : memref<!tpu.dma_semaphore, #tpu.memory_space<semaphore_mem>>)
      %add3A_389 = arith.constant 1 : i32
      %add3A_390 = arith.addi %mul3A_355, %add3A_389 : i32
      %dma_wait3A_391 = arith.constant 0 : i32
      %dma_wait3A_392 = tpu.memref_slice %arg6[%dma_wait3A_391] : memref<10000xi32, #tpu.memory_space<vmem>> -> memref<80xi32, #tpu.memory_space<vmem>>
      %dma_wait3A_393 = arith.constant 0 : i32
      %dma_wait3A_394 = arith.constant 0 : i32
      %dma_wait3A_395 = tpu.memref_slice %arg2[%dma_wait3A_393, %dma_wait3A_394] : memref<20000x128xf32, #tpu.memory_space<hbm>> -> memref<20000x128xf32, #tpu.memory_space<hbm>>
      tpu.wait_indirect_dma semaphore(%arg15 : memref<!tpu.dma_semaphore, #tpu.memory_space<semaphore_mem>>) src(%dma_wait3A_395 : memref<20000x128xf32, #tpu.memory_space<hbm>>) dst(%arg11 : memref<80x128xf32, #tpu.memory_space<vmem>>)
      %dma_wait3A_396 = arith.constant 0 : i32
      %dma_wait3A_397 = tpu.memref_slice %arg4[%dma_wait3A_396] : memref<160000xi32, #tpu.memory_space<hbm>> -> memref<80xi32, #tpu.memory_space<hbm>>
      %dma_wait3A_398 = arith.constant 0 : i32
      %dma_wait3A_399 = tpu.memref_slice %arg4[%dma_wait3A_398] : memref<160000xi32, #tpu.memory_space<hbm>> -> memref<80xi32, #tpu.memory_space<hbm>>
      tpu.wait_dma2 semaphore(%arg21 : memref<!tpu.dma_semaphore, #tpu.memory_space<semaphore_mem>>) src(%dma_wait3A_399 : memref<80xi32, #tpu.memory_space<hbm>>) dst(%arg8 : memref<80xi32, #tpu.memory_space<vmem>>)
      %dma_start3A_400 = arith.constant 0 : i32
      %dma_start3A_401 = arith.constant 0 : i32
      %dma_start3A_402 = tpu.memref_slice %arg13[%dma_start3A_400, %dma_start3A_401] : memref<10000x128xf32, #tpu.memory_space<vmem_shared>> -> memref<10000x128xf32, #tpu.memory_space<vmem_shared>>
      tpu.enqueue_indirect_dma source(%arg11 : memref<80x128xf32, #tpu.memory_space<vmem>>) target(%dma_start3A_402 : memref<10000x128xf32, #tpu.memory_space<vmem_shared>>) offsets(%arg8 : memref<80xi32, #tpu.memory_space<vmem>>) semaphore(%arg18 : memref<!tpu.dma_semaphore, #tpu.memory_space<semaphore_mem>>) {add = true}
      %ge3A_403 = arith.constant 1 : i32
      %ge3A_404 = arith.cmpi sge, %add3A_390, %ge3A_403 : i32
      %convert_element_type3A_405 = arith.extui %ge3A_404 : i1 to i32
      %cond3A_406 = arith.constant 0 : i32
      %cond3A_407 = arith.cmpi ne, %convert_element_type3A_405, %cond3A_406 : i32
      scf.if %cond3A_407 {
        %dma_wait3A_458 = arith.constant 0 : i32
        %dma_wait3A_459 = arith.constant 0 : i32
        %dma_wait3A_460 = tpu.memref_slice %arg13[%dma_wait3A_458, %dma_wait3A_459] : memref<10000x128xf32, #tpu.memory_space<vmem_shared>> -> memref<10000x128xf32, #tpu.memory_space<vmem_shared>>
        tpu.wait_indirect_dma semaphore(%arg17 : memref<!tpu.dma_semaphore, #tpu.memory_space<semaphore_mem>>) src(%arg10 : memref<80x128xf32, #tpu.memory_space<vmem>>) dst(%dma_wait3A_460 : memref<10000x128xf32, #tpu.memory_space<vmem_shared>>)
      } else {
      }
      %add3A_408 = arith.constant 2 : i32
      %add3A_409 = arith.addi %add3A_390, %add3A_408 : i32
      %mul3A_410 = arith.constant 80 : i32
      %mul3A_411 = arith.muli %add3A_409, %mul3A_410 : i32
      %add3A_412 = arith.addi %mul3A_126, %mul3A_411 : i32
      %dma_start3A_413 = tpu.memref_slice %arg4[%add3A_412] : memref<160000xi32, #tpu.memory_space<hbm>> -> memref<80xi32, #tpu.memory_space<hbm>>
      %dma_start3A_414 = tpu.memref_slice %arg4[%add3A_412] : memref<160000xi32, #tpu.memory_space<hbm>> -> memref<80xi32, #tpu.memory_space<hbm>>
      tpu.enqueue_dma source(%dma_start3A_414 : memref<80xi32, #tpu.memory_space<hbm>>) target(%arg7 : memref<80xi32, #tpu.memory_space<vmem>>) target_semaphore(%arg20 : memref<!tpu.dma_semaphore, #tpu.memory_space<semaphore_mem>>)
      %add3A_415 = arith.constant 2 : i32
      %add3A_416 = arith.addi %add3A_390, %add3A_415 : i32
      %mul3A_417 = arith.constant 80 : i32
      %mul3A_418 = arith.muli %add3A_416, %mul3A_417 : i32
      %dma_start3A_419 = tpu.memref_slice %arg6[%mul3A_418] : memref<10000xi32, #tpu.memory_space<vmem>> -> memref<80xi32, #tpu.memory_space<vmem>>
      %dma_start3A_420 = arith.constant 0 : i32
      %dma_start3A_421 = arith.constant 0 : i32
      %dma_start3A_422 = tpu.memref_slice %arg2[%dma_start3A_420, %dma_start3A_421] : memref<20000x128xf32, #tpu.memory_space<hbm>> -> memref<20000x128xf32, #tpu.memory_space<hbm>>
      tpu.enqueue_indirect_dma source(%dma_start3A_422 : memref<20000x128xf32, #tpu.memory_space<hbm>>) target(%arg10 : memref<80x128xf32, #tpu.memory_space<vmem>>) offsets(%dma_start3A_419 : memref<80xi32, #tpu.memory_space<vmem>>) semaphore(%arg14 : memref<!tpu.dma_semaphore, #tpu.memory_space<semaphore_mem>>)
      %add3A_423 = arith.constant 2 : i32
      %add3A_424 = arith.addi %mul3A_355, %add3A_423 : i32
      %dma_wait3A_425 = arith.constant 0 : i32
      %dma_wait3A_426 = tpu.memref_slice %arg6[%dma_wait3A_425] : memref<10000xi32, #tpu.memory_space<vmem>> -> memref<80xi32, #tpu.memory_space<vmem>>
      %dma_wait3A_427 = arith.constant 0 : i32
      %dma_wait3A_428 = arith.constant 0 : i32
      %dma_wait3A_429 = tpu.memref_slice %arg2[%dma_wait3A_427, %dma_wait3A_428] : memref<20000x128xf32, #tpu.memory_space<hbm>> -> memref<20000x128xf32, #tpu.memory_space<hbm>>
      tpu.wait_indirect_dma semaphore(%arg16 : memref<!tpu.dma_semaphore, #tpu.memory_space<semaphore_mem>>) src(%dma_wait3A_429 : memref<20000x128xf32, #tpu.memory_space<hbm>>) dst(%arg12 : memref<80x128xf32, #tpu.memory_space<vmem>>)
      %dma_wait3A_430 = arith.constant 0 : i32
      %dma_wait3A_431 = tpu.memref_slice %arg4[%dma_wait3A_430] : memref<160000xi32, #tpu.memory_space<hbm>> -> memref<80xi32, #tpu.memory_space<hbm>>
      %dma_wait3A_432 = arith.constant 0 : i32
      %dma_wait3A_433 = tpu.memref_slice %arg4[%dma_wait3A_432] : memref<160000xi32, #tpu.memory_space<hbm>> -> memref<80xi32, #tpu.memory_space<hbm>>
      tpu.wait_dma2 semaphore(%arg22 : memref<!tpu.dma_semaphore, #tpu.memory_space<semaphore_mem>>) src(%dma_wait3A_433 : memref<80xi32, #tpu.memory_space<hbm>>) dst(%arg9 : memref<80xi32, #tpu.memory_space<vmem>>)
      %dma_start3A_434 = arith.constant 0 : i32
      %dma_start3A_435 = arith.constant 0 : i32
      %dma_start3A_436 = tpu.memref_slice %arg13[%dma_start3A_434, %dma_start3A_435] : memref<10000x128xf32, #tpu.memory_space<vmem_shared>> -> memref<10000x128xf32, #tpu.memory_space<vmem_shared>>
      tpu.enqueue_indirect_dma source(%arg12 : memref<80x128xf32, #tpu.memory_space<vmem>>) target(%dma_start3A_436 : memref<10000x128xf32, #tpu.memory_space<vmem_shared>>) offsets(%arg9 : memref<80xi32, #tpu.memory_space<vmem>>) semaphore(%arg19 : memref<!tpu.dma_semaphore, #tpu.memory_space<semaphore_mem>>) {add = true}
      %ge3A_437 = arith.constant 1 : i32
      %ge3A_438 = arith.cmpi sge, %add3A_424, %ge3A_437 : i32
      %convert_element_type3A_439 = arith.extui %ge3A_438 : i1 to i32
      %cond3A_440 = arith.constant 0 : i32
      %cond3A_441 = arith.cmpi ne, %convert_element_type3A_439, %cond3A_440 : i32
      scf.if %cond3A_441 {
        %dma_wait3A_458 = arith.constant 0 : i32
        %dma_wait3A_459 = arith.constant 0 : i32
        %dma_wait3A_460 = tpu.memref_slice %arg13[%dma_wait3A_458, %dma_wait3A_459] : memref<10000x128xf32, #tpu.memory_space<vmem_shared>> -> memref<10000x128xf32, #tpu.memory_space<vmem_shared>>
        tpu.wait_indirect_dma semaphore(%arg18 : memref<!tpu.dma_semaphore, #tpu.memory_space<semaphore_mem>>) src(%arg11 : memref<80x128xf32, #tpu.memory_space<vmem>>) dst(%dma_wait3A_460 : memref<10000x128xf32, #tpu.memory_space<vmem_shared>>)
      } else {
      }
      %add3A_442 = arith.constant 2 : i32
      %add3A_443 = arith.addi %add3A_424, %add3A_442 : i32
      %mul3A_444 = arith.constant 80 : i32
      %mul3A_445 = arith.muli %add3A_443, %mul3A_444 : i32
      %add3A_446 = arith.addi %mul3A_126, %mul3A_445 : i32
      %dma_start3A_447 = tpu.memref_slice %arg4[%add3A_446] : memref<160000xi32, #tpu.memory_space<hbm>> -> memref<80xi32, #tpu.memory_space<hbm>>
      %dma_start3A_448 = tpu.memref_slice %arg4[%add3A_446] : memref<160000xi32, #tpu.memory_space<hbm>> -> memref<80xi32, #tpu.memory_space<hbm>>
      tpu.enqueue_dma source(%dma_start3A_448 : memref<80xi32, #tpu.memory_space<hbm>>) target(%arg8 : memref<80xi32, #tpu.memory_space<vmem>>) target_semaphore(%arg21 : memref<!tpu.dma_semaphore, #tpu.memory_space<semaphore_mem>>)
      %add3A_449 = arith.constant 2 : i32
      %add3A_450 = arith.addi %add3A_424, %add3A_449 : i32
      %mul3A_451 = arith.constant 80 : i32
      %mul3A_452 = arith.muli %add3A_450, %mul3A_451 : i32
      %dma_start3A_453 = tpu.memref_slice %arg6[%mul3A_452] : memref<10000xi32, #tpu.memory_space<vmem>> -> memref<80xi32, #tpu.memory_space<vmem>>
      %dma_start3A_454 = arith.constant 0 : i32
      %dma_start3A_455 = arith.constant 0 : i32
      %dma_start3A_456 = tpu.memref_slice %arg2[%dma_start3A_454, %dma_start3A_455] : memref<20000x128xf32, #tpu.memory_space<hbm>> -> memref<20000x128xf32, #tpu.memory_space<hbm>>
      tpu.enqueue_indirect_dma source(%dma_start3A_456 : memref<20000x128xf32, #tpu.memory_space<hbm>>) target(%arg11 : memref<80x128xf32, #tpu.memory_space<vmem>>) offsets(%dma_start3A_453 : memref<80xi32, #tpu.memory_space<vmem>>) semaphore(%arg15 : memref<!tpu.dma_semaphore, #tpu.memory_space<semaphore_mem>>)
      %scan3A_457 = arith.constant 0 : i32
      scf.yield %scan3A_457 : i32
    }
    %scan3A_150 = arith.constant 41 : i32
    %dma_wait3A = arith.constant 0 : i32
    %dma_wait3A_151 = tpu.memref_slice %arg6[%dma_wait3A] : memref<10000xi32, #tpu.memory_space<vmem>> -> memref<80xi32, #tpu.memory_space<vmem>>
    %dma_wait3A_152 = arith.constant 0 : i32
    %dma_wait3A_153 = arith.constant 0 : i32
    %dma_wait3A_154 = tpu.memref_slice %arg2[%dma_wait3A_152, %dma_wait3A_153] : memref<20000x128xf32, #tpu.memory_space<hbm>> -> memref<20000x128xf32, #tpu.memory_space<hbm>>
    tpu.wait_indirect_dma semaphore(%arg14 : memref<!tpu.dma_semaphore, #tpu.memory_space<semaphore_mem>>) src(%dma_wait3A_154 : memref<20000x128xf32, #tpu.memory_space<hbm>>) dst(%arg10 : memref<80x128xf32, #tpu.memory_space<vmem>>)
    %dma_wait3A_155 = arith.constant 0 : i32
    %dma_wait3A_156 = tpu.memref_slice %arg4[%dma_wait3A_155] : memref<160000xi32, #tpu.memory_space<hbm>> -> memref<80xi32, #tpu.memory_space<hbm>>
    %dma_wait3A_157 = arith.constant 0 : i32
    %dma_wait3A_158 = tpu.memref_slice %arg4[%dma_wait3A_157] : memref<160000xi32, #tpu.memory_space<hbm>> -> memref<80xi32, #tpu.memory_space<hbm>>
    tpu.wait_dma2 semaphore(%arg20 : memref<!tpu.dma_semaphore, #tpu.memory_space<semaphore_mem>>) src(%dma_wait3A_158 : memref<80xi32, #tpu.memory_space<hbm>>) dst(%arg7 : memref<80xi32, #tpu.memory_space<vmem>>)
    %dma_start3A_159 = arith.constant 0 : i32
    %dma_start3A_160 = arith.constant 0 : i32
    %dma_start3A_161 = tpu.memref_slice %arg13[%dma_start3A_159, %dma_start3A_160] : memref<10000x128xf32, #tpu.memory_space<vmem_shared>> -> memref<10000x128xf32, #tpu.memory_space<vmem_shared>>
    tpu.enqueue_indirect_dma source(%arg10 : memref<80x128xf32, #tpu.memory_space<vmem>>) target(%dma_start3A_161 : memref<10000x128xf32, #tpu.memory_space<vmem_shared>>) offsets(%arg7 : memref<80xi32, #tpu.memory_space<vmem>>) semaphore(%arg17 : memref<!tpu.dma_semaphore, #tpu.memory_space<semaphore_mem>>) {add = true}
    %dma_wait3A_162 = arith.constant 0 : i32
    %dma_wait3A_163 = tpu.memref_slice %arg6[%dma_wait3A_162] : memref<10000xi32, #tpu.memory_space<vmem>> -> memref<80xi32, #tpu.memory_space<vmem>>
    %dma_wait3A_164 = arith.constant 0 : i32
    %dma_wait3A_165 = arith.constant 0 : i32
    %dma_wait3A_166 = tpu.memref_slice %arg2[%dma_wait3A_164, %dma_wait3A_165] : memref<20000x128xf32, #tpu.memory_space<hbm>> -> memref<20000x128xf32, #tpu.memory_space<hbm>>
    tpu.wait_indirect_dma semaphore(%arg15 : memref<!tpu.dma_semaphore, #tpu.memory_space<semaphore_mem>>) src(%dma_wait3A_166 : memref<20000x128xf32, #tpu.memory_space<hbm>>) dst(%arg11 : memref<80x128xf32, #tpu.memory_space<vmem>>)
    %dma_wait3A_167 = arith.constant 0 : i32
    %dma_wait3A_168 = tpu.memref_slice %arg4[%dma_wait3A_167] : memref<160000xi32, #tpu.memory_space<hbm>> -> memref<80xi32, #tpu.memory_space<hbm>>
    %dma_wait3A_169 = arith.constant 0 : i32
    %dma_wait3A_170 = tpu.memref_slice %arg4[%dma_wait3A_169] : memref<160000xi32, #tpu.memory_space<hbm>> -> memref<80xi32, #tpu.memory_space<hbm>>
    tpu.wait_dma2 semaphore(%arg21 : memref<!tpu.dma_semaphore, #tpu.memory_space<semaphore_mem>>) src(%dma_wait3A_170 : memref<80xi32, #tpu.memory_space<hbm>>) dst(%arg8 : memref<80xi32, #tpu.memory_space<vmem>>)
    %dma_start3A_171 = arith.constant 0 : i32
    %dma_start3A_172 = arith.constant 0 : i32
    %dma_start3A_173 = tpu.memref_slice %arg13[%dma_start3A_171, %dma_start3A_172] : memref<10000x128xf32, #tpu.memory_space<vmem_shared>> -> memref<10000x128xf32, #tpu.memory_space<vmem_shared>>
    tpu.enqueue_indirect_dma source(%arg11 : memref<80x128xf32, #tpu.memory_space<vmem>>) target(%dma_start3A_173 : memref<10000x128xf32, #tpu.memory_space<vmem_shared>>) offsets(%arg8 : memref<80xi32, #tpu.memory_space<vmem>>) semaphore(%arg18 : memref<!tpu.dma_semaphore, #tpu.memory_space<semaphore_mem>>) {add = true}
    %dma_wait3A_174 = arith.constant 0 : i32
    %dma_wait3A_175 = arith.constant 0 : i32
    %dma_wait3A_176 = tpu.memref_slice %arg13[%dma_wait3A_174, %dma_wait3A_175] : memref<10000x128xf32, #tpu.memory_space<vmem_shared>> -> memref<10000x128xf32, #tpu.memory_space<vmem_shared>>
    tpu.wait_indirect_dma semaphore(%arg17 : memref<!tpu.dma_semaphore, #tpu.memory_space<semaphore_mem>>) src(%arg10 : memref<80x128xf32, #tpu.memory_space<vmem>>) dst(%dma_wait3A_176 : memref<10000x128xf32, #tpu.memory_space<vmem_shared>>)
    %dma_wait3A_177 = arith.constant 0 : i32
    %dma_wait3A_178 = arith.constant 0 : i32
    %dma_wait3A_179 = tpu.memref_slice %arg13[%dma_wait3A_177, %dma_wait3A_178] : memref<10000x128xf32, #tpu.memory_space<vmem_shared>> -> memref<10000x128xf32, #tpu.memory_space<vmem_shared>>
    tpu.wait_indirect_dma semaphore(%arg18 : memref<!tpu.dma_semaphore, #tpu.memory_space<semaphore_mem>>) src(%arg11 : memref<80x128xf32, #tpu.memory_space<vmem>>) dst(%dma_wait3A_179 : memref<10000x128xf32, #tpu.memory_space<vmem_shared>>)
    %dma_wait3A_180 = arith.constant 0 : i32
    %dma_wait3A_181 = arith.constant 0 : i32
    %dma_wait3A_182 = tpu.memref_slice %arg13[%dma_wait3A_180, %dma_wait3A_181] : memref<10000x128xf32, #tpu.memory_space<vmem_shared>> -> memref<10000x128xf32, #tpu.memory_space<vmem_shared>>
    tpu.wait_indirect_dma semaphore(%arg19 : memref<!tpu.dma_semaphore, #tpu.memory_space<semaphore_mem>>) src(%arg12 : memref<80x128xf32, #tpu.memory_space<vmem>>) dst(%dma_wait3A_182 : memref<10000x128xf32, #tpu.memory_space<vmem_shared>>)
    %barrier3A_183 = arith.constant 0 : index
    tpu.barrier barrier_id(%barrier3A_183)
    %add3A_184 = arith.constant 0 : i32
    %add3A_185 = arith.addi %arg1, %add3A_184 : i32
    %lt3A_186 = arith.constant 125 : i32
    %lt3A_187 = arith.cmpi slt, %add3A_185, %lt3A_186 : i32
    %convert_element_type3A_188 = arith.extui %lt3A_187 : i1 to i32
    %cond3A_189 = arith.constant 0 : i32
    %cond3A_190 = arith.cmpi ne, %convert_element_type3A_188, %cond3A_189 : i32
    scf.if %cond3A_190 {
      %mul3A_352 = arith.constant 80 : i32
      %mul3A_353 = arith.muli %add3A_185, %mul3A_352 : i32
      %dma_start3A_354 = arith.constant 0 : i32
      %dma_start3A_355 = tpu.memref_slice %arg13[%mul3A_353, %dma_start3A_354] : memref<10000x128xf32, #tpu.memory_space<vmem_shared>> -> memref<80x128xf32, #tpu.memory_space<vmem_shared>>
      %dma_start3A_356 = arith.constant 0 : i32
      %dma_start3A_357 = tpu.memref_slice %arg13[%mul3A_353, %dma_start3A_356] : memref<10000x128xf32, #tpu.memory_space<vmem_shared>> -> memref<80x128xf32, #tpu.memory_space<vmem_shared>>
      tpu.enqueue_dma source(%dma_start3A_357 : memref<80x128xf32, #tpu.memory_space<vmem_shared>>) target(%arg10 : memref<80x128xf32, #tpu.memory_space<vmem>>) target_semaphore(%arg14 : memref<!tpu.dma_semaphore, #tpu.memory_space<semaphore_mem>>)
    } else {
    }
    %add3A_191 = arith.constant 16 : i32
    %add3A_192 = arith.addi %arg1, %add3A_191 : i32
    %lt3A_193 = arith.constant 125 : i32
    %lt3A_194 = arith.cmpi slt, %add3A_192, %lt3A_193 : i32
    %convert_element_type3A_195 = arith.extui %lt3A_194 : i1 to i32
    %cond3A_196 = arith.constant 0 : i32
    %cond3A_197 = arith.cmpi ne, %convert_element_type3A_195, %cond3A_196 : i32
    scf.if %cond3A_197 {
      %mul3A_352 = arith.constant 80 : i32
      %mul3A_353 = arith.muli %add3A_192, %mul3A_352 : i32
      %dma_start3A_354 = arith.constant 0 : i32
      %dma_start3A_355 = tpu.memref_slice %arg13[%mul3A_353, %dma_start3A_354] : memref<10000x128xf32, #tpu.memory_space<vmem_shared>> -> memref<80x128xf32, #tpu.memory_space<vmem_shared>>
      %dma_start3A_356 = arith.constant 0 : i32
      %dma_start3A_357 = tpu.memref_slice %arg13[%mul3A_353, %dma_start3A_356] : memref<10000x128xf32, #tpu.memory_space<vmem_shared>> -> memref<80x128xf32, #tpu.memory_space<vmem_shared>>
      tpu.enqueue_dma source(%dma_start3A_357 : memref<80x128xf32, #tpu.memory_space<vmem_shared>>) target(%arg11 : memref<80x128xf32, #tpu.memory_space<vmem>>) target_semaphore(%arg15 : memref<!tpu.dma_semaphore, #tpu.memory_space<semaphore_mem>>)
    } else {
    }
    %add3A_198 = arith.constant 0 : i32
    %add3A_199 = arith.addi %arg1, %add3A_198 : i32
    %lt3A_200 = arith.constant 125 : i32
    %lt3A_201 = arith.cmpi slt, %add3A_199, %lt3A_200 : i32
    %convert_element_type3A_202 = arith.extui %lt3A_201 : i1 to i32
    %cond3A_203 = arith.constant 0 : i32
    %cond3A_204 = arith.cmpi ne, %convert_element_type3A_202, %cond3A_203 : i32
    scf.if %cond3A_204 {
      %dma_wait3A_352 = arith.constant 0 : i32
      %dma_wait3A_353 = arith.constant 0 : i32
      %dma_wait3A_354 = tpu.memref_slice %arg13[%dma_wait3A_352, %dma_wait3A_353] : memref<10000x128xf32, #tpu.memory_space<vmem_shared>> -> memref<80x128xf32, #tpu.memory_space<vmem_shared>>
      %dma_wait3A_355 = arith.constant 0 : i32
      %dma_wait3A_356 = arith.constant 0 : i32
      %dma_wait3A_357 = tpu.memref_slice %arg13[%dma_wait3A_355, %dma_wait3A_356] : memref<10000x128xf32, #tpu.memory_space<vmem_shared>> -> memref<80x128xf32, #tpu.memory_space<vmem_shared>>
      tpu.wait_dma2 semaphore(%arg14 : memref<!tpu.dma_semaphore, #tpu.memory_space<semaphore_mem>>) src(%dma_wait3A_357 : memref<80x128xf32, #tpu.memory_space<vmem_shared>>) dst(%arg10 : memref<80x128xf32, #tpu.memory_space<vmem>>)
      %mul3A_358 = arith.constant 80 : i32
      %mul3A_359 = arith.muli %add3A_199, %mul3A_358 : i32
      %dma_start3A_360 = arith.constant 0 : i32
      %dma_start3A_361 = tpu.memref_slice %arg5[%arg0, %mul3A_359, %dma_start3A_360] : memref<2x10000x128xf32, #tpu.memory_space<hbm>> -> memref<1x80x128xf32, #tpu.memory_space<hbm>>
      %dma_start3A_362 = tpu.memref_squeeze %dma_start3A_361 : memref<1x80x128xf32, #tpu.memory_space<hbm>> -> memref<80x128xf32, #tpu.memory_space<hbm>>
      %dma_start3A_363 = arith.constant 0 : i32
      %dma_start3A_364 = tpu.memref_slice %arg5[%arg0, %mul3A_359, %dma_start3A_363] : memref<2x10000x128xf32, #tpu.memory_space<hbm>> -> memref<1x80x128xf32, #tpu.memory_space<hbm>>
      %dma_start3A_365 = tpu.memref_squeeze %dma_start3A_364 : memref<1x80x128xf32, #tpu.memory_space<hbm>> -> memref<80x128xf32, #tpu.memory_space<hbm>>
      tpu.enqueue_dma source(%arg10 : memref<80x128xf32, #tpu.memory_space<vmem>>) target(%dma_start3A_365 : memref<80x128xf32, #tpu.memory_space<hbm>>) target_semaphore(%arg17 : memref<!tpu.dma_semaphore, #tpu.memory_space<semaphore_mem>>)
    } else {
    }
    %add3A_205 = arith.constant 0 : i32
    %add3A_206 = arith.addi %arg1, %add3A_205 : i32
    %lt3A_207 = arith.constant 125 : i32
    %lt3A_208 = arith.cmpi slt, %add3A_206, %lt3A_207 : i32
    %convert_element_type3A_209 = arith.extui %lt3A_208 : i1 to i32
    %cond3A_210 = arith.constant 0 : i32
    %cond3A_211 = arith.cmpi ne, %convert_element_type3A_209, %cond3A_210 : i32
    scf.if %cond3A_211 {
      %dma_wait3A_352 = arith.constant 0 : i32
      %dma_wait3A_353 = arith.constant 0 : i32
      %dma_wait3A_354 = tpu.memref_slice %arg5[%arg0, %dma_wait3A_352, %dma_wait3A_353] : memref<2x10000x128xf32, #tpu.memory_space<hbm>> -> memref<1x80x128xf32, #tpu.memory_space<hbm>>
      %dma_wait3A_355 = tpu.memref_squeeze %dma_wait3A_354 : memref<1x80x128xf32, #tpu.memory_space<hbm>> -> memref<80x128xf32, #tpu.memory_space<hbm>>
      %dma_wait3A_356 = arith.constant 0 : i32
      %dma_wait3A_357 = arith.constant 0 : i32
      %dma_wait3A_358 = tpu.memref_slice %arg5[%arg0, %dma_wait3A_356, %dma_wait3A_357] : memref<2x10000x128xf32, #tpu.memory_space<hbm>> -> memref<1x80x128xf32, #tpu.memory_space<hbm>>
      %dma_wait3A_359 = tpu.memref_squeeze %dma_wait3A_358 : memref<1x80x128xf32, #tpu.memory_space<hbm>> -> memref<80x128xf32, #tpu.memory_space<hbm>>
      tpu.wait_dma2 semaphore(%arg17 : memref<!tpu.dma_semaphore, #tpu.memory_space<semaphore_mem>>) src(%arg10 : memref<80x128xf32, #tpu.memory_space<vmem>>) dst(%dma_wait3A_359 : memref<80x128xf32, #tpu.memory_space<hbm>>)
    } else {
    }
    %add3A_212 = arith.constant 32 : i32
    %add3A_213 = arith.addi %arg1, %add3A_212 : i32
    %lt3A_214 = arith.constant 125 : i32
    %lt3A_215 = arith.cmpi slt, %add3A_213, %lt3A_214 : i32
    %convert_element_type3A_216 = arith.extui %lt3A_215 : i1 to i32
    %cond3A_217 = arith.constant 0 : i32
    %cond3A_218 = arith.cmpi ne, %convert_element_type3A_216, %cond3A_217 : i32
    scf.if %cond3A_218 {
      %mul3A_352 = arith.constant 80 : i32
      %mul3A_353 = arith.muli %add3A_213, %mul3A_352 : i32
      %dma_start3A_354 = arith.constant 0 : i32
      %dma_start3A_355 = tpu.memref_slice %arg13[%mul3A_353, %dma_start3A_354] : memref<10000x128xf32, #tpu.memory_space<vmem_shared>> -> memref<80x128xf32, #tpu.memory_space<vmem_shared>>
      %dma_start3A_356 = arith.constant 0 : i32
      %dma_start3A_357 = tpu.memref_slice %arg13[%mul3A_353, %dma_start3A_356] : memref<10000x128xf32, #tpu.memory_space<vmem_shared>> -> memref<80x128xf32, #tpu.memory_space<vmem_shared>>
      tpu.enqueue_dma source(%dma_start3A_357 : memref<80x128xf32, #tpu.memory_space<vmem_shared>>) target(%arg10 : memref<80x128xf32, #tpu.memory_space<vmem>>) target_semaphore(%arg14 : memref<!tpu.dma_semaphore, #tpu.memory_space<semaphore_mem>>)
    } else {
    }
    %add3A_219 = arith.constant 16 : i32
    %add3A_220 = arith.addi %arg1, %add3A_219 : i32
    %lt3A_221 = arith.constant 125 : i32
    %lt3A_222 = arith.cmpi slt, %add3A_220, %lt3A_221 : i32
    %convert_element_type3A_223 = arith.extui %lt3A_222 : i1 to i32
    %cond3A_224 = arith.constant 0 : i32
    %cond3A_225 = arith.cmpi ne, %convert_element_type3A_223, %cond3A_224 : i32
    scf.if %cond3A_225 {
      %dma_wait3A_352 = arith.constant 0 : i32
      %dma_wait3A_353 = arith.constant 0 : i32
      %dma_wait3A_354 = tpu.memref_slice %arg13[%dma_wait3A_352, %dma_wait3A_353] : memref<10000x128xf32, #tpu.memory_space<vmem_shared>> -> memref<80x128xf32, #tpu.memory_space<vmem_shared>>
      %dma_wait3A_355 = arith.constant 0 : i32
      %dma_wait3A_356 = arith.constant 0 : i32
      %dma_wait3A_357 = tpu.memref_slice %arg13[%dma_wait3A_355, %dma_wait3A_356] : memref<10000x128xf32, #tpu.memory_space<vmem_shared>> -> memref<80x128xf32, #tpu.memory_space<vmem_shared>>
      tpu.wait_dma2 semaphore(%arg15 : memref<!tpu.dma_semaphore, #tpu.memory_space<semaphore_mem>>) src(%dma_wait3A_357 : memref<80x128xf32, #tpu.memory_space<vmem_shared>>) dst(%arg11 : memref<80x128xf32, #tpu.memory_space<vmem>>)
      %mul3A_358 = arith.constant 80 : i32
      %mul3A_359 = arith.muli %add3A_220, %mul3A_358 : i32
      %dma_start3A_360 = arith.constant 0 : i32
      %dma_start3A_361 = tpu.memref_slice %arg5[%arg0, %mul3A_359, %dma_start3A_360] : memref<2x10000x128xf32, #tpu.memory_space<hbm>> -> memref<1x80x128xf32, #tpu.memory_space<hbm>>
      %dma_start3A_362 = tpu.memref_squeeze %dma_start3A_361 : memref<1x80x128xf32, #tpu.memory_space<hbm>> -> memref<80x128xf32, #tpu.memory_space<hbm>>
      %dma_start3A_363 = arith.constant 0 : i32
      %dma_start3A_364 = tpu.memref_slice %arg5[%arg0, %mul3A_359, %dma_start3A_363] : memref<2x10000x128xf32, #tpu.memory_space<hbm>> -> memref<1x80x128xf32, #tpu.memory_space<hbm>>
      %dma_start3A_365 = tpu.memref_squeeze %dma_start3A_364 : memref<1x80x128xf32, #tpu.memory_space<hbm>> -> memref<80x128xf32, #tpu.memory_space<hbm>>
      tpu.enqueue_dma source(%arg11 : memref<80x128xf32, #tpu.memory_space<vmem>>) target(%dma_start3A_365 : memref<80x128xf32, #tpu.memory_space<hbm>>) target_semaphore(%arg18 : memref<!tpu.dma_semaphore, #tpu.memory_space<semaphore_mem>>)
    } else {
    }
    %add3A_226 = arith.constant 16 : i32
    %add3A_227 = arith.addi %arg1, %add3A_226 : i32
    %lt3A_228 = arith.constant 125 : i32
    %lt3A_229 = arith.cmpi slt, %add3A_227, %lt3A_228 : i32
    %convert_element_type3A_230 = arith.extui %lt3A_229 : i1 to i32
    %cond3A_231 = arith.constant 0 : i32
    %cond3A_232 = arith.cmpi ne, %convert_element_type3A_230, %cond3A_231 : i32
    scf.if %cond3A_232 {
      %dma_wait3A_352 = arith.constant 0 : i32
      %dma_wait3A_353 = arith.constant 0 : i32
      %dma_wait3A_354 = tpu.memref_slice %arg5[%arg0, %dma_wait3A_352, %dma_wait3A_353] : memref<2x10000x128xf32, #tpu.memory_space<hbm>> -> memref<1x80x128xf32, #tpu.memory_space<hbm>>
      %dma_wait3A_355 = tpu.memref_squeeze %dma_wait3A_354 : memref<1x80x128xf32, #tpu.memory_space<hbm>> -> memref<80x128xf32, #tpu.memory_space<hbm>>
      %dma_wait3A_356 = arith.constant 0 : i32
      %dma_wait3A_357 = arith.constant 0 : i32
      %dma_wait3A_358 = tpu.memref_slice %arg5[%arg0, %dma_wait3A_356, %dma_wait3A_357] : memref<2x10000x128xf32, #tpu.memory_space<hbm>> -> memref<1x80x128xf32, #tpu.memory_space<hbm>>
      %dma_wait3A_359 = tpu.memref_squeeze %dma_wait3A_358 : memref<1x80x128xf32, #tpu.memory_space<hbm>> -> memref<80x128xf32, #tpu.memory_space<hbm>>
      tpu.wait_dma2 semaphore(%arg18 : memref<!tpu.dma_semaphore, #tpu.memory_space<semaphore_mem>>) src(%arg11 : memref<80x128xf32, #tpu.memory_space<vmem>>) dst(%dma_wait3A_359 : memref<80x128xf32, #tpu.memory_space<hbm>>)
    } else {
    }
    %add3A_233 = arith.constant 48 : i32
    %add3A_234 = arith.addi %arg1, %add3A_233 : i32
    %lt3A_235 = arith.constant 125 : i32
    %lt3A_236 = arith.cmpi slt, %add3A_234, %lt3A_235 : i32
    %convert_element_type3A_237 = arith.extui %lt3A_236 : i1 to i32
    %cond3A_238 = arith.constant 0 : i32
    %cond3A_239 = arith.cmpi ne, %convert_element_type3A_237, %cond3A_238 : i32
    scf.if %cond3A_239 {
      %mul3A_352 = arith.constant 80 : i32
      %mul3A_353 = arith.muli %add3A_234, %mul3A_352 : i32
      %dma_start3A_354 = arith.constant 0 : i32
      %dma_start3A_355 = tpu.memref_slice %arg13[%mul3A_353, %dma_start3A_354] : memref<10000x128xf32, #tpu.memory_space<vmem_shared>> -> memref<80x128xf32, #tpu.memory_space<vmem_shared>>
      %dma_start3A_356 = arith.constant 0 : i32
      %dma_start3A_357 = tpu.memref_slice %arg13[%mul3A_353, %dma_start3A_356] : memref<10000x128xf32, #tpu.memory_space<vmem_shared>> -> memref<80x128xf32, #tpu.memory_space<vmem_shared>>
      tpu.enqueue_dma source(%dma_start3A_357 : memref<80x128xf32, #tpu.memory_space<vmem_shared>>) target(%arg11 : memref<80x128xf32, #tpu.memory_space<vmem>>) target_semaphore(%arg15 : memref<!tpu.dma_semaphore, #tpu.memory_space<semaphore_mem>>)
    } else {
    }
    %add3A_240 = arith.constant 32 : i32
    %add3A_241 = arith.addi %arg1, %add3A_240 : i32
    %lt3A_242 = arith.constant 125 : i32
    %lt3A_243 = arith.cmpi slt, %add3A_241, %lt3A_242 : i32
    %convert_element_type3A_244 = arith.extui %lt3A_243 : i1 to i32
    %cond3A_245 = arith.constant 0 : i32
    %cond3A_246 = arith.cmpi ne, %convert_element_type3A_244, %cond3A_245 : i32
    scf.if %cond3A_246 {
      %dma_wait3A_352 = arith.constant 0 : i32
      %dma_wait3A_353 = arith.constant 0 : i32
      %dma_wait3A_354 = tpu.memref_slice %arg13[%dma_wait3A_352, %dma_wait3A_353] : memref<10000x128xf32, #tpu.memory_space<vmem_shared>> -> memref<80x128xf32, #tpu.memory_space<vmem_shared>>
      %dma_wait3A_355 = arith.constant 0 : i32
      %dma_wait3A_356 = arith.constant 0 : i32
      %dma_wait3A_357 = tpu.memref_slice %arg13[%dma_wait3A_355, %dma_wait3A_356] : memref<10000x128xf32, #tpu.memory_space<vmem_shared>> -> memref<80x128xf32, #tpu.memory_space<vmem_shared>>
      tpu.wait_dma2 semaphore(%arg14 : memref<!tpu.dma_semaphore, #tpu.memory_space<semaphore_mem>>) src(%dma_wait3A_357 : memref<80x128xf32, #tpu.memory_space<vmem_shared>>) dst(%arg10 : memref<80x128xf32, #tpu.memory_space<vmem>>)
      %mul3A_358 = arith.constant 80 : i32
      %mul3A_359 = arith.muli %add3A_241, %mul3A_358 : i32
      %dma_start3A_360 = arith.constant 0 : i32
      %dma_start3A_361 = tpu.memref_slice %arg5[%arg0, %mul3A_359, %dma_start3A_360] : memref<2x10000x128xf32, #tpu.memory_space<hbm>> -> memref<1x80x128xf32, #tpu.memory_space<hbm>>
      %dma_start3A_362 = tpu.memref_squeeze %dma_start3A_361 : memref<1x80x128xf32, #tpu.memory_space<hbm>> -> memref<80x128xf32, #tpu.memory_space<hbm>>
      %dma_start3A_363 = arith.constant 0 : i32
      %dma_start3A_364 = tpu.memref_slice %arg5[%arg0, %mul3A_359, %dma_start3A_363] : memref<2x10000x128xf32, #tpu.memory_space<hbm>> -> memref<1x80x128xf32, #tpu.memory_space<hbm>>
      %dma_start3A_365 = tpu.memref_squeeze %dma_start3A_364 : memref<1x80x128xf32, #tpu.memory_space<hbm>> -> memref<80x128xf32, #tpu.memory_space<hbm>>
      tpu.enqueue_dma source(%arg10 : memref<80x128xf32, #tpu.memory_space<vmem>>) target(%dma_start3A_365 : memref<80x128xf32, #tpu.memory_space<hbm>>) target_semaphore(%arg17 : memref<!tpu.dma_semaphore, #tpu.memory_space<semaphore_mem>>)
    } else {
    }
    %add3A_247 = arith.constant 32 : i32
    %add3A_248 = arith.addi %arg1, %add3A_247 : i32
    %lt3A_249 = arith.constant 125 : i32
    %lt3A_250 = arith.cmpi slt, %add3A_248, %lt3A_249 : i32
    %convert_element_type3A_251 = arith.extui %lt3A_250 : i1 to i32
    %cond3A_252 = arith.constant 0 : i32
    %cond3A_253 = arith.cmpi ne, %convert_element_type3A_251, %cond3A_252 : i32
    scf.if %cond3A_253 {
      %dma_wait3A_352 = arith.constant 0 : i32
      %dma_wait3A_353 = arith.constant 0 : i32
      %dma_wait3A_354 = tpu.memref_slice %arg5[%arg0, %dma_wait3A_352, %dma_wait3A_353] : memref<2x10000x128xf32, #tpu.memory_space<hbm>> -> memref<1x80x128xf32, #tpu.memory_space<hbm>>
      %dma_wait3A_355 = tpu.memref_squeeze %dma_wait3A_354 : memref<1x80x128xf32, #tpu.memory_space<hbm>> -> memref<80x128xf32, #tpu.memory_space<hbm>>
      %dma_wait3A_356 = arith.constant 0 : i32
      %dma_wait3A_357 = arith.constant 0 : i32
      %dma_wait3A_358 = tpu.memref_slice %arg5[%arg0, %dma_wait3A_356, %dma_wait3A_357] : memref<2x10000x128xf32, #tpu.memory_space<hbm>> -> memref<1x80x128xf32, #tpu.memory_space<hbm>>
      %dma_wait3A_359 = tpu.memref_squeeze %dma_wait3A_358 : memref<1x80x128xf32, #tpu.memory_space<hbm>> -> memref<80x128xf32, #tpu.memory_space<hbm>>
      tpu.wait_dma2 semaphore(%arg17 : memref<!tpu.dma_semaphore, #tpu.memory_space<semaphore_mem>>) src(%arg10 : memref<80x128xf32, #tpu.memory_space<vmem>>) dst(%dma_wait3A_359 : memref<80x128xf32, #tpu.memory_space<hbm>>)
    } else {
    }
    %add3A_254 = arith.constant 64 : i32
    %add3A_255 = arith.addi %arg1, %add3A_254 : i32
    %lt3A_256 = arith.constant 125 : i32
    %lt3A_257 = arith.cmpi slt, %add3A_255, %lt3A_256 : i32
    %convert_element_type3A_258 = arith.extui %lt3A_257 : i1 to i32
    %cond3A_259 = arith.constant 0 : i32
    %cond3A_260 = arith.cmpi ne, %convert_element_type3A_258, %cond3A_259 : i32
    scf.if %cond3A_260 {
      %mul3A_352 = arith.constant 80 : i32
      %mul3A_353 = arith.muli %add3A_255, %mul3A_352 : i32
      %dma_start3A_354 = arith.constant 0 : i32
      %dma_start3A_355 = tpu.memref_slice %arg13[%mul3A_353, %dma_start3A_354] : memref<10000x128xf32, #tpu.memory_space<vmem_shared>> -> memref<80x128xf32, #tpu.memory_space<vmem_shared>>
      %dma_start3A_356 = arith.constant 0 : i32
      %dma_start3A_357 = tpu.memref_slice %arg13[%mul3A_353, %dma_start3A_356] : memref<10000x128xf32, #tpu.memory_space<vmem_shared>> -> memref<80x128xf32, #tpu.memory_space<vmem_shared>>
      tpu.enqueue_dma source(%dma_start3A_357 : memref<80x128xf32, #tpu.memory_space<vmem_shared>>) target(%arg10 : memref<80x128xf32, #tpu.memory_space<vmem>>) target_semaphore(%arg14 : memref<!tpu.dma_semaphore, #tpu.memory_space<semaphore_mem>>)
    } else {
    }
    %add3A_261 = arith.constant 48 : i32
    %add3A_262 = arith.addi %arg1, %add3A_261 : i32
    %lt3A_263 = arith.constant 125 : i32
    %lt3A_264 = arith.cmpi slt, %add3A_262, %lt3A_263 : i32
    %convert_element_type3A_265 = arith.extui %lt3A_264 : i1 to i32
    %cond3A_266 = arith.constant 0 : i32
    %cond3A_267 = arith.cmpi ne, %convert_element_type3A_265, %cond3A_266 : i32
    scf.if %cond3A_267 {
      %dma_wait3A_352 = arith.constant 0 : i32
      %dma_wait3A_353 = arith.constant 0 : i32
      %dma_wait3A_354 = tpu.memref_slice %arg13[%dma_wait3A_352, %dma_wait3A_353] : memref<10000x128xf32, #tpu.memory_space<vmem_shared>> -> memref<80x128xf32, #tpu.memory_space<vmem_shared>>
      %dma_wait3A_355 = arith.constant 0 : i32
      %dma_wait3A_356 = arith.constant 0 : i32
      %dma_wait3A_357 = tpu.memref_slice %arg13[%dma_wait3A_355, %dma_wait3A_356] : memref<10000x128xf32, #tpu.memory_space<vmem_shared>> -> memref<80x128xf32, #tpu.memory_space<vmem_shared>>
      tpu.wait_dma2 semaphore(%arg15 : memref<!tpu.dma_semaphore, #tpu.memory_space<semaphore_mem>>) src(%dma_wait3A_357 : memref<80x128xf32, #tpu.memory_space<vmem_shared>>) dst(%arg11 : memref<80x128xf32, #tpu.memory_space<vmem>>)
      %mul3A_358 = arith.constant 80 : i32
      %mul3A_359 = arith.muli %add3A_262, %mul3A_358 : i32
      %dma_start3A_360 = arith.constant 0 : i32
      %dma_start3A_361 = tpu.memref_slice %arg5[%arg0, %mul3A_359, %dma_start3A_360] : memref<2x10000x128xf32, #tpu.memory_space<hbm>> -> memref<1x80x128xf32, #tpu.memory_space<hbm>>
      %dma_start3A_362 = tpu.memref_squeeze %dma_start3A_361 : memref<1x80x128xf32, #tpu.memory_space<hbm>> -> memref<80x128xf32, #tpu.memory_space<hbm>>
      %dma_start3A_363 = arith.constant 0 : i32
      %dma_start3A_364 = tpu.memref_slice %arg5[%arg0, %mul3A_359, %dma_start3A_363] : memref<2x10000x128xf32, #tpu.memory_space<hbm>> -> memref<1x80x128xf32, #tpu.memory_space<hbm>>
      %dma_start3A_365 = tpu.memref_squeeze %dma_start3A_364 : memref<1x80x128xf32, #tpu.memory_space<hbm>> -> memref<80x128xf32, #tpu.memory_space<hbm>>
      tpu.enqueue_dma source(%arg11 : memref<80x128xf32, #tpu.memory_space<vmem>>) target(%dma_start3A_365 : memref<80x128xf32, #tpu.memory_space<hbm>>) target_semaphore(%arg18 : memref<!tpu.dma_semaphore, #tpu.memory_space<semaphore_mem>>)
    } else {
    }
    %add3A_268 = arith.constant 48 : i32
    %add3A_269 = arith.addi %arg1, %add3A_268 : i32
    %lt3A_270 = arith.constant 125 : i32
    %lt3A_271 = arith.cmpi slt, %add3A_269, %lt3A_270 : i32
    %convert_element_type3A_272 = arith.extui %lt3A_271 : i1 to i32
    %cond3A_273 = arith.constant 0 : i32
    %cond3A_274 = arith.cmpi ne, %convert_element_type3A_272, %cond3A_273 : i32
    scf.if %cond3A_274 {
      %dma_wait3A_352 = arith.constant 0 : i32
      %dma_wait3A_353 = arith.constant 0 : i32
      %dma_wait3A_354 = tpu.memref_slice %arg5[%arg0, %dma_wait3A_352, %dma_wait3A_353] : memref<2x10000x128xf32, #tpu.memory_space<hbm>> -> memref<1x80x128xf32, #tpu.memory_space<hbm>>
      %dma_wait3A_355 = tpu.memref_squeeze %dma_wait3A_354 : memref<1x80x128xf32, #tpu.memory_space<hbm>> -> memref<80x128xf32, #tpu.memory_space<hbm>>
      %dma_wait3A_356 = arith.constant 0 : i32
      %dma_wait3A_357 = arith.constant 0 : i32
      %dma_wait3A_358 = tpu.memref_slice %arg5[%arg0, %dma_wait3A_356, %dma_wait3A_357] : memref<2x10000x128xf32, #tpu.memory_space<hbm>> -> memref<1x80x128xf32, #tpu.memory_space<hbm>>
      %dma_wait3A_359 = tpu.memref_squeeze %dma_wait3A_358 : memref<1x80x128xf32, #tpu.memory_space<hbm>> -> memref<80x128xf32, #tpu.memory_space<hbm>>
      tpu.wait_dma2 semaphore(%arg18 : memref<!tpu.dma_semaphore, #tpu.memory_space<semaphore_mem>>) src(%arg11 : memref<80x128xf32, #tpu.memory_space<vmem>>) dst(%dma_wait3A_359 : memref<80x128xf32, #tpu.memory_space<hbm>>)
    } else {
    }
    %add3A_275 = arith.constant 80 : i32
    %add3A_276 = arith.addi %arg1, %add3A_275 : i32
    %lt3A_277 = arith.constant 125 : i32
    %lt3A_278 = arith.cmpi slt, %add3A_276, %lt3A_277 : i32
    %convert_element_type3A_279 = arith.extui %lt3A_278 : i1 to i32
    %cond3A_280 = arith.constant 0 : i32
    %cond3A_281 = arith.cmpi ne, %convert_element_type3A_279, %cond3A_280 : i32
    scf.if %cond3A_281 {
      %mul3A_352 = arith.constant 80 : i32
      %mul3A_353 = arith.muli %add3A_276, %mul3A_352 : i32
      %dma_start3A_354 = arith.constant 0 : i32
      %dma_start3A_355 = tpu.memref_slice %arg13[%mul3A_353, %dma_start3A_354] : memref<10000x128xf32, #tpu.memory_space<vmem_shared>> -> memref<80x128xf32, #tpu.memory_space<vmem_shared>>
      %dma_start3A_356 = arith.constant 0 : i32
      %dma_start3A_357 = tpu.memref_slice %arg13[%mul3A_353, %dma_start3A_356] : memref<10000x128xf32, #tpu.memory_space<vmem_shared>> -> memref<80x128xf32, #tpu.memory_space<vmem_shared>>
      tpu.enqueue_dma source(%dma_start3A_357 : memref<80x128xf32, #tpu.memory_space<vmem_shared>>) target(%arg11 : memref<80x128xf32, #tpu.memory_space<vmem>>) target_semaphore(%arg15 : memref<!tpu.dma_semaphore, #tpu.memory_space<semaphore_mem>>)
    } else {
    }
    %add3A_282 = arith.constant 64 : i32
    %add3A_283 = arith.addi %arg1, %add3A_282 : i32
    %lt3A_284 = arith.constant 125 : i32
    %lt3A_285 = arith.cmpi slt, %add3A_283, %lt3A_284 : i32
    %convert_element_type3A_286 = arith.extui %lt3A_285 : i1 to i32
    %cond3A_287 = arith.constant 0 : i32
    %cond3A_288 = arith.cmpi ne, %convert_element_type3A_286, %cond3A_287 : i32
    scf.if %cond3A_288 {
      %dma_wait3A_352 = arith.constant 0 : i32
      %dma_wait3A_353 = arith.constant 0 : i32
      %dma_wait3A_354 = tpu.memref_slice %arg13[%dma_wait3A_352, %dma_wait3A_353] : memref<10000x128xf32, #tpu.memory_space<vmem_shared>> -> memref<80x128xf32, #tpu.memory_space<vmem_shared>>
      %dma_wait3A_355 = arith.constant 0 : i32
      %dma_wait3A_356 = arith.constant 0 : i32
      %dma_wait3A_357 = tpu.memref_slice %arg13[%dma_wait3A_355, %dma_wait3A_356] : memref<10000x128xf32, #tpu.memory_space<vmem_shared>> -> memref<80x128xf32, #tpu.memory_space<vmem_shared>>
      tpu.wait_dma2 semaphore(%arg14 : memref<!tpu.dma_semaphore, #tpu.memory_space<semaphore_mem>>) src(%dma_wait3A_357 : memref<80x128xf32, #tpu.memory_space<vmem_shared>>) dst(%arg10 : memref<80x128xf32, #tpu.memory_space<vmem>>)
      %mul3A_358 = arith.constant 80 : i32
      %mul3A_359 = arith.muli %add3A_283, %mul3A_358 : i32
      %dma_start3A_360 = arith.constant 0 : i32
      %dma_start3A_361 = tpu.memref_slice %arg5[%arg0, %mul3A_359, %dma_start3A_360] : memref<2x10000x128xf32, #tpu.memory_space<hbm>> -> memref<1x80x128xf32, #tpu.memory_space<hbm>>
      %dma_start3A_362 = tpu.memref_squeeze %dma_start3A_361 : memref<1x80x128xf32, #tpu.memory_space<hbm>> -> memref<80x128xf32, #tpu.memory_space<hbm>>
      %dma_start3A_363 = arith.constant 0 : i32
      %dma_start3A_364 = tpu.memref_slice %arg5[%arg0, %mul3A_359, %dma_start3A_363] : memref<2x10000x128xf32, #tpu.memory_space<hbm>> -> memref<1x80x128xf32, #tpu.memory_space<hbm>>
      %dma_start3A_365 = tpu.memref_squeeze %dma_start3A_364 : memref<1x80x128xf32, #tpu.memory_space<hbm>> -> memref<80x128xf32, #tpu.memory_space<hbm>>
      tpu.enqueue_dma source(%arg10 : memref<80x128xf32, #tpu.memory_space<vmem>>) target(%dma_start3A_365 : memref<80x128xf32, #tpu.memory_space<hbm>>) target_semaphore(%arg17 : memref<!tpu.dma_semaphore, #tpu.memory_space<semaphore_mem>>)
    } else {
    }
    %add3A_289 = arith.constant 64 : i32
    %add3A_290 = arith.addi %arg1, %add3A_289 : i32
    %lt3A_291 = arith.constant 125 : i32
    %lt3A_292 = arith.cmpi slt, %add3A_290, %lt3A_291 : i32
    %convert_element_type3A_293 = arith.extui %lt3A_292 : i1 to i32
    %cond3A_294 = arith.constant 0 : i32
    %cond3A_295 = arith.cmpi ne, %convert_element_type3A_293, %cond3A_294 : i32
    scf.if %cond3A_295 {
      %dma_wait3A_352 = arith.constant 0 : i32
      %dma_wait3A_353 = arith.constant 0 : i32
      %dma_wait3A_354 = tpu.memref_slice %arg5[%arg0, %dma_wait3A_352, %dma_wait3A_353] : memref<2x10000x128xf32, #tpu.memory_space<hbm>> -> memref<1x80x128xf32, #tpu.memory_space<hbm>>
      %dma_wait3A_355 = tpu.memref_squeeze %dma_wait3A_354 : memref<1x80x128xf32, #tpu.memory_space<hbm>> -> memref<80x128xf32, #tpu.memory_space<hbm>>
      %dma_wait3A_356 = arith.constant 0 : i32
      %dma_wait3A_357 = arith.constant 0 : i32
      %dma_wait3A_358 = tpu.memref_slice %arg5[%arg0, %dma_wait3A_356, %dma_wait3A_357] : memref<2x10000x128xf32, #tpu.memory_space<hbm>> -> memref<1x80x128xf32, #tpu.memory_space<hbm>>
      %dma_wait3A_359 = tpu.memref_squeeze %dma_wait3A_358 : memref<1x80x128xf32, #tpu.memory_space<hbm>> -> memref<80x128xf32, #tpu.memory_space<hbm>>
      tpu.wait_dma2 semaphore(%arg17 : memref<!tpu.dma_semaphore, #tpu.memory_space<semaphore_mem>>) src(%arg10 : memref<80x128xf32, #tpu.memory_space<vmem>>) dst(%dma_wait3A_359 : memref<80x128xf32, #tpu.memory_space<hbm>>)
    } else {
    }
    %add3A_296 = arith.constant 96 : i32
    %add3A_297 = arith.addi %arg1, %add3A_296 : i32
    %lt3A_298 = arith.constant 125 : i32
    %lt3A_299 = arith.cmpi slt, %add3A_297, %lt3A_298 : i32
    %convert_element_type3A_300 = arith.extui %lt3A_299 : i1 to i32
    %cond3A_301 = arith.constant 0 : i32
    %cond3A_302 = arith.cmpi ne, %convert_element_type3A_300, %cond3A_301 : i32
    scf.if %cond3A_302 {
      %mul3A_352 = arith.constant 80 : i32
      %mul3A_353 = arith.muli %add3A_297, %mul3A_352 : i32
      %dma_start3A_354 = arith.constant 0 : i32
      %dma_start3A_355 = tpu.memref_slice %arg13[%mul3A_353, %dma_start3A_354] : memref<10000x128xf32, #tpu.memory_space<vmem_shared>> -> memref<80x128xf32, #tpu.memory_space<vmem_shared>>
      %dma_start3A_356 = arith.constant 0 : i32
      %dma_start3A_357 = tpu.memref_slice %arg13[%mul3A_353, %dma_start3A_356] : memref<10000x128xf32, #tpu.memory_space<vmem_shared>> -> memref<80x128xf32, #tpu.memory_space<vmem_shared>>
      tpu.enqueue_dma source(%dma_start3A_357 : memref<80x128xf32, #tpu.memory_space<vmem_shared>>) target(%arg10 : memref<80x128xf32, #tpu.memory_space<vmem>>) target_semaphore(%arg14 : memref<!tpu.dma_semaphore, #tpu.memory_space<semaphore_mem>>)
    } else {
    }
    %add3A_303 = arith.constant 80 : i32
    %add3A_304 = arith.addi %arg1, %add3A_303 : i32
    %lt3A_305 = arith.constant 125 : i32
    %lt3A_306 = arith.cmpi slt, %add3A_304, %lt3A_305 : i32
    %convert_element_type3A_307 = arith.extui %lt3A_306 : i1 to i32
    %cond3A_308 = arith.constant 0 : i32
    %cond3A_309 = arith.cmpi ne, %convert_element_type3A_307, %cond3A_308 : i32
    scf.if %cond3A_309 {
      %dma_wait3A_352 = arith.constant 0 : i32
      %dma_wait3A_353 = arith.constant 0 : i32
      %dma_wait3A_354 = tpu.memref_slice %arg13[%dma_wait3A_352, %dma_wait3A_353] : memref<10000x128xf32, #tpu.memory_space<vmem_shared>> -> memref<80x128xf32, #tpu.memory_space<vmem_shared>>
      %dma_wait3A_355 = arith.constant 0 : i32
      %dma_wait3A_356 = arith.constant 0 : i32
      %dma_wait3A_357 = tpu.memref_slice %arg13[%dma_wait3A_355, %dma_wait3A_356] : memref<10000x128xf32, #tpu.memory_space<vmem_shared>> -> memref<80x128xf32, #tpu.memory_space<vmem_shared>>
      tpu.wait_dma2 semaphore(%arg15 : memref<!tpu.dma_semaphore, #tpu.memory_space<semaphore_mem>>) src(%dma_wait3A_357 : memref<80x128xf32, #tpu.memory_space<vmem_shared>>) dst(%arg11 : memref<80x128xf32, #tpu.memory_space<vmem>>)
      %mul3A_358 = arith.constant 80 : i32
      %mul3A_359 = arith.muli %add3A_304, %mul3A_358 : i32
      %dma_start3A_360 = arith.constant 0 : i32
      %dma_start3A_361 = tpu.memref_slice %arg5[%arg0, %mul3A_359, %dma_start3A_360] : memref<2x10000x128xf32, #tpu.memory_space<hbm>> -> memref<1x80x128xf32, #tpu.memory_space<hbm>>
      %dma_start3A_362 = tpu.memref_squeeze %dma_start3A_361 : memref<1x80x128xf32, #tpu.memory_space<hbm>> -> memref<80x128xf32, #tpu.memory_space<hbm>>
      %dma_start3A_363 = arith.constant 0 : i32
      %dma_start3A_364 = tpu.memref_slice %arg5[%arg0, %mul3A_359, %dma_start3A_363] : memref<2x10000x128xf32, #tpu.memory_space<hbm>> -> memref<1x80x128xf32, #tpu.memory_space<hbm>>
      %dma_start3A_365 = tpu.memref_squeeze %dma_start3A_364 : memref<1x80x128xf32, #tpu.memory_space<hbm>> -> memref<80x128xf32, #tpu.memory_space<hbm>>
      tpu.enqueue_dma source(%arg11 : memref<80x128xf32, #tpu.memory_space<vmem>>) target(%dma_start3A_365 : memref<80x128xf32, #tpu.memory_space<hbm>>) target_semaphore(%arg18 : memref<!tpu.dma_semaphore, #tpu.memory_space<semaphore_mem>>)
    } else {
    }
    %add3A_310 = arith.constant 80 : i32
    %add3A_311 = arith.addi %arg1, %add3A_310 : i32
    %lt3A_312 = arith.constant 125 : i32
    %lt3A_313 = arith.cmpi slt, %add3A_311, %lt3A_312 : i32
    %convert_element_type3A_314 = arith.extui %lt3A_313 : i1 to i32
    %cond3A_315 = arith.constant 0 : i32
    %cond3A_316 = arith.cmpi ne, %convert_element_type3A_314, %cond3A_315 : i32
    scf.if %cond3A_316 {
      %dma_wait3A_352 = arith.constant 0 : i32
      %dma_wait3A_353 = arith.constant 0 : i32
      %dma_wait3A_354 = tpu.memref_slice %arg5[%arg0, %dma_wait3A_352, %dma_wait3A_353] : memref<2x10000x128xf32, #tpu.memory_space<hbm>> -> memref<1x80x128xf32, #tpu.memory_space<hbm>>
      %dma_wait3A_355 = tpu.memref_squeeze %dma_wait3A_354 : memref<1x80x128xf32, #tpu.memory_space<hbm>> -> memref<80x128xf32, #tpu.memory_space<hbm>>
      %dma_wait3A_356 = arith.constant 0 : i32
      %dma_wait3A_357 = arith.constant 0 : i32
      %dma_wait3A_358 = tpu.memref_slice %arg5[%arg0, %dma_wait3A_356, %dma_wait3A_357] : memref<2x10000x128xf32, #tpu.memory_space<hbm>> -> memref<1x80x128xf32, #tpu.memory_space<hbm>>
      %dma_wait3A_359 = tpu.memref_squeeze %dma_wait3A_358 : memref<1x80x128xf32, #tpu.memory_space<hbm>> -> memref<80x128xf32, #tpu.memory_space<hbm>>
      tpu.wait_dma2 semaphore(%arg18 : memref<!tpu.dma_semaphore, #tpu.memory_space<semaphore_mem>>) src(%arg11 : memref<80x128xf32, #tpu.memory_space<vmem>>) dst(%dma_wait3A_359 : memref<80x128xf32, #tpu.memory_space<hbm>>)
    } else {
    }
    %add3A_317 = arith.constant 112 : i32
    %add3A_318 = arith.addi %arg1, %add3A_317 : i32
    %lt3A_319 = arith.constant 125 : i32
    %lt3A_320 = arith.cmpi slt, %add3A_318, %lt3A_319 : i32
    %convert_element_type3A_321 = arith.extui %lt3A_320 : i1 to i32
    %cond3A_322 = arith.constant 0 : i32
    %cond3A_323 = arith.cmpi ne, %convert_element_type3A_321, %cond3A_322 : i32
    scf.if %cond3A_323 {
      %mul3A_352 = arith.constant 80 : i32
      %mul3A_353 = arith.muli %add3A_318, %mul3A_352 : i32
      %dma_start3A_354 = arith.constant 0 : i32
      %dma_start3A_355 = tpu.memref_slice %arg13[%mul3A_353, %dma_start3A_354] : memref<10000x128xf32, #tpu.memory_space<vmem_shared>> -> memref<80x128xf32, #tpu.memory_space<vmem_shared>>
      %dma_start3A_356 = arith.constant 0 : i32
      %dma_start3A_357 = tpu.memref_slice %arg13[%mul3A_353, %dma_start3A_356] : memref<10000x128xf32, #tpu.memory_space<vmem_shared>> -> memref<80x128xf32, #tpu.memory_space<vmem_shared>>
      tpu.enqueue_dma source(%dma_start3A_357 : memref<80x128xf32, #tpu.memory_space<vmem_shared>>) target(%arg11 : memref<80x128xf32, #tpu.memory_space<vmem>>) target_semaphore(%arg15 : memref<!tpu.dma_semaphore, #tpu.memory_space<semaphore_mem>>)
    } else {
    }
    %add3A_324 = arith.constant 96 : i32
    %add3A_325 = arith.addi %arg1, %add3A_324 : i32
    %lt3A_326 = arith.constant 125 : i32
    %lt3A_327 = arith.cmpi slt, %add3A_325, %lt3A_326 : i32
    %convert_element_type3A_328 = arith.extui %lt3A_327 : i1 to i32
    %cond3A_329 = arith.constant 0 : i32
    %cond3A_330 = arith.cmpi ne, %convert_element_type3A_328, %cond3A_329 : i32
    scf.if %cond3A_330 {
      %dma_wait3A_352 = arith.constant 0 : i32
      %dma_wait3A_353 = arith.constant 0 : i32
      %dma_wait3A_354 = tpu.memref_slice %arg13[%dma_wait3A_352, %dma_wait3A_353] : memref<10000x128xf32, #tpu.memory_space<vmem_shared>> -> memref<80x128xf32, #tpu.memory_space<vmem_shared>>
      %dma_wait3A_355 = arith.constant 0 : i32
      %dma_wait3A_356 = arith.constant 0 : i32
      %dma_wait3A_357 = tpu.memref_slice %arg13[%dma_wait3A_355, %dma_wait3A_356] : memref<10000x128xf32, #tpu.memory_space<vmem_shared>> -> memref<80x128xf32, #tpu.memory_space<vmem_shared>>
      tpu.wait_dma2 semaphore(%arg14 : memref<!tpu.dma_semaphore, #tpu.memory_space<semaphore_mem>>) src(%dma_wait3A_357 : memref<80x128xf32, #tpu.memory_space<vmem_shared>>) dst(%arg10 : memref<80x128xf32, #tpu.memory_space<vmem>>)
      %mul3A_358 = arith.constant 80 : i32
      %mul3A_359 = arith.muli %add3A_325, %mul3A_358 : i32
      %dma_start3A_360 = arith.constant 0 : i32
      %dma_start3A_361 = tpu.memref_slice %arg5[%arg0, %mul3A_359, %dma_start3A_360] : memref<2x10000x128xf32, #tpu.memory_space<hbm>> -> memref<1x80x128xf32, #tpu.memory_space<hbm>>
      %dma_start3A_362 = tpu.memref_squeeze %dma_start3A_361 : memref<1x80x128xf32, #tpu.memory_space<hbm>> -> memref<80x128xf32, #tpu.memory_space<hbm>>
      %dma_start3A_363 = arith.constant 0 : i32
      %dma_start3A_364 = tpu.memref_slice %arg5[%arg0, %mul3A_359, %dma_start3A_363] : memref<2x10000x128xf32, #tpu.memory_space<hbm>> -> memref<1x80x128xf32, #tpu.memory_space<hbm>>
      %dma_start3A_365 = tpu.memref_squeeze %dma_start3A_364 : memref<1x80x128xf32, #tpu.memory_space<hbm>> -> memref<80x128xf32, #tpu.memory_space<hbm>>
      tpu.enqueue_dma source(%arg10 : memref<80x128xf32, #tpu.memory_space<vmem>>) target(%dma_start3A_365 : memref<80x128xf32, #tpu.memory_space<hbm>>) target_semaphore(%arg17 : memref<!tpu.dma_semaphore, #tpu.memory_space<semaphore_mem>>)
    } else {
    }
    %add3A_331 = arith.constant 96 : i32
    %add3A_332 = arith.addi %arg1, %add3A_331 : i32
    %lt3A_333 = arith.constant 125 : i32
    %lt3A_334 = arith.cmpi slt, %add3A_332, %lt3A_333 : i32
    %convert_element_type3A_335 = arith.extui %lt3A_334 : i1 to i32
    %cond3A_336 = arith.constant 0 : i32
    %cond3A_337 = arith.cmpi ne, %convert_element_type3A_335, %cond3A_336 : i32
    scf.if %cond3A_337 {
      %dma_wait3A_352 = arith.constant 0 : i32
      %dma_wait3A_353 = arith.constant 0 : i32
      %dma_wait3A_354 = tpu.memref_slice %arg5[%arg0, %dma_wait3A_352, %dma_wait3A_353] : memref<2x10000x128xf32, #tpu.memory_space<hbm>> -> memref<1x80x128xf32, #tpu.memory_space<hbm>>
      %dma_wait3A_355 = tpu.memref_squeeze %dma_wait3A_354 : memref<1x80x128xf32, #tpu.memory_space<hbm>> -> memref<80x128xf32, #tpu.memory_space<hbm>>
      %dma_wait3A_356 = arith.constant 0 : i32
      %dma_wait3A_357 = arith.constant 0 : i32
      %dma_wait3A_358 = tpu.memref_slice %arg5[%arg0, %dma_wait3A_356, %dma_wait3A_357] : memref<2x10000x128xf32, #tpu.memory_space<hbm>> -> memref<1x80x128xf32, #tpu.memory_space<hbm>>
      %dma_wait3A_359 = tpu.memref_squeeze %dma_wait3A_358 : memref<1x80x128xf32, #tpu.memory_space<hbm>> -> memref<80x128xf32, #tpu.memory_space<hbm>>
      tpu.wait_dma2 semaphore(%arg17 : memref<!tpu.dma_semaphore, #tpu.memory_space<semaphore_mem>>) src(%arg10 : memref<80x128xf32, #tpu.memory_space<vmem>>) dst(%dma_wait3A_359 : memref<80x128xf32, #tpu.memory_space<hbm>>)
    } else {
    }
    %add3A_338 = arith.constant 112 : i32
    %add3A_339 = arith.addi %arg1, %add3A_338 : i32
    %lt3A_340 = arith.constant 125 : i32
    %lt3A_341 = arith.cmpi slt, %add3A_339, %lt3A_340 : i32
    %convert_element_type3A_342 = arith.extui %lt3A_341 : i1 to i32
    %cond3A_343 = arith.constant 0 : i32
    %cond3A_344 = arith.cmpi ne, %convert_element_type3A_342, %cond3A_343 : i32
    scf.if %cond3A_344 {
      %dma_wait3A_352 = arith.constant 0 : i32
      %dma_wait3A_353 = arith.constant 0 : i32
      %dma_wait3A_354 = tpu.memref_slice %arg13[%dma_wait3A_352, %dma_wait3A_353] : memref<10000x128xf32, #tpu.memory_space<vmem_shared>> -> memref<80x128xf32, #tpu.memory_space<vmem_shared>>
      %dma_wait3A_355 = arith.constant 0 : i32
      %dma_wait3A_356 = arith.constant 0 : i32
      %dma_wait3A_357 = tpu.memref_slice %arg13[%dma_wait3A_355, %dma_wait3A_356] : memref<10000x128xf32, #tpu.memory_space<vmem_shared>> -> memref<80x128xf32, #tpu.memory_space<vmem_shared>>
      tpu.wait_dma2 semaphore(%arg15 : memref<!tpu.dma_semaphore, #tpu.memory_space<semaphore_mem>>) src(%dma_wait3A_357 : memref<80x128xf32, #tpu.memory_space<vmem_shared>>) dst(%arg11 : memref<80x128xf32, #tpu.memory_space<vmem>>)
      %mul3A_358 = arith.constant 80 : i32
      %mul3A_359 = arith.muli %add3A_339, %mul3A_358 : i32
      %dma_start3A_360 = arith.constant 0 : i32
      %dma_start3A_361 = tpu.memref_slice %arg5[%arg0, %mul3A_359, %dma_start3A_360] : memref<2x10000x128xf32, #tpu.memory_space<hbm>> -> memref<1x80x128xf32, #tpu.memory_space<hbm>>
      %dma_start3A_362 = tpu.memref_squeeze %dma_start3A_361 : memref<1x80x128xf32, #tpu.memory_space<hbm>> -> memref<80x128xf32, #tpu.memory_space<hbm>>
      %dma_start3A_363 = arith.constant 0 : i32
      %dma_start3A_364 = tpu.memref_slice %arg5[%arg0, %mul3A_359, %dma_start3A_363] : memref<2x10000x128xf32, #tpu.memory_space<hbm>> -> memref<1x80x128xf32, #tpu.memory_space<hbm>>
      %dma_start3A_365 = tpu.memref_squeeze %dma_start3A_364 : memref<1x80x128xf32, #tpu.memory_space<hbm>> -> memref<80x128xf32, #tpu.memory_space<hbm>>
      tpu.enqueue_dma source(%arg11 : memref<80x128xf32, #tpu.memory_space<vmem>>) target(%dma_start3A_365 : memref<80x128xf32, #tpu.memory_space<hbm>>) target_semaphore(%arg18 : memref<!tpu.dma_semaphore, #tpu.memory_space<semaphore_mem>>)
    } else {
    }
    %add3A_345 = arith.constant 112 : i32
    %add3A_346 = arith.addi %arg1, %add3A_345 : i32
    %lt3A_347 = arith.constant 125 : i32
    %lt3A_348 = arith.cmpi slt, %add3A_346, %lt3A_347 : i32
    %convert_element_type3A_349 = arith.extui %lt3A_348 : i1 to i32
    %cond3A_350 = arith.constant 0 : i32
    %cond3A_351 = arith.cmpi ne, %convert_element_type3A_349, %cond3A_350 : i32
    scf.if %cond3A_351 {
      %dma_wait3A_352 = arith.constant 0 : i32
      %dma_wait3A_353 = arith.constant 0 : i32
      %dma_wait3A_354 = tpu.memref_slice %arg5[%arg0, %dma_wait3A_352, %dma_wait3A_353] : memref<2x10000x128xf32, #tpu.memory_space<hbm>> -> memref<1x80x128xf32, #tpu.memory_space<hbm>>
      %dma_wait3A_355 = tpu.memref_squeeze %dma_wait3A_354 : memref<1x80x128xf32, #tpu.memory_space<hbm>> -> memref<80x128xf32, #tpu.memory_space<hbm>>
      %dma_wait3A_356 = arith.constant 0 : i32
      %dma_wait3A_357 = arith.constant 0 : i32
      %dma_wait3A_358 = tpu.memref_slice %arg5[%arg0, %dma_wait3A_356, %dma_wait3A_357] : memref<2x10000x128xf32, #tpu.memory_space<hbm>> -> memref<1x80x128xf32, #tpu.memory_space<hbm>>
      %dma_wait3A_359 = tpu.memref_squeeze %dma_wait3A_358 : memref<1x80x128xf32, #tpu.memory_space<hbm>> -> memref<80x128xf32, #tpu.memory_space<hbm>>
      tpu.wait_dma2 semaphore(%arg18 : memref<!tpu.dma_semaphore, #tpu.memory_space<semaphore_mem>>) src(%arg11 : memref<80x128xf32, #tpu.memory_space<vmem>>) dst(%dma_wait3A_359 : memref<80x128xf32, #tpu.memory_space<hbm>>)
    } else {
    }
    return
  }
}

</mosaic_0001>

<sc_bundles>
// kernel: _sc_segment_sum.3.cloned.1.call-start
scs
__scs_entry_jumppad:
0x0: {  	(pc) =	sbr.rel $0x88, $3  }
0x1: {  	(tag) =	ssettag $0x0;
	lr =	simm.s32 $0x1  }
0x2: {  	[smem:$0x3F9E] =	sst lr;
	_ =	strace $0xD0000000  }
0x3: {  	_ = 	snop  }
0x4: {  	_ = 	snop  }
0x5: {  	_ = 	snop  }
0x6: {  	_ = 	snop  }
0x7: {  	_ = 	snop  }
__scs_overlays_trampoline_lowered:
0x8: {  	[smem:$0x3FAD] =	sst s0  }
0x9: {  	[smem:$0x3FAE] =	sst s1  }
0xa: {  	[smem:$0x3FAF] =	sst s2  }
0xb: {  	[smem:$0x3FB0] =	sst s3  }
0xc: {  	[smem:$0x3FB1] =	sst s4  }
0xd: {  	[smem:$0x3FB2] =	sst s5  }
0xe: {  	[smem:$0x3FB3] =	sst s6  }
0xf: {  	[smem:$0x3FB4] =	sst s7  }
0x10: {  	[smem:$0x3FB5] =	sst s8  }
0x11: {  	[smem:$0x3FB6] =	sst s9;
	s0 =	simm.s32 @!p0 $0x0  }
0x12: {  	s1 =	sld [smem:$0x3F9C];
	s0 =	simm.s32 @p0 $0x1  }
0x13: {  	[smem:$0x3FB7] =	sst s0;
	s0 =	simm.s32 @!p1 $0x0  }
0x14: {  	s2 =	sld [smem:$0x3F9B];
	s0 =	simm.s32 @p1 $0x1  }
0x15: {  	[smem:$0x3FB8] =	sst s0;
	s0 =	simm.s32 @!p2 $0x0  }
0x16: {  	s3 =	sld [smem:$0x3FDB];
	s0 =	simm.s32 @p2 $0x1  }
0x17: {  	s4 =	simm.s32 $0x1BF5;
	[smem:$0x3FBA] =	sst s0  }
0x18: {  	s0 =	sld [smem:$0x3F9D];
	_ =	swait.ge [sflag:s4], $0x0  }
0x19: {  	s7 =	sld [smem:$0x3F9E]  }
0x1a: {  	s8 =	sadd.s32 $0xFFFFE003, lr  }
0x1b: {  	s9 =	sadd.s32 $0xFFFFFEF7, lr;
	s5 =	simm.s32 $0xFFFFFFFF;
	p2 =	slt.u32 s8, $0xFFFFF086  }
0x1c: {  	p1 =	slt.u32 s9, $0xF7A;
	s5 =	simm.s32 @!p2 $0x0  }
0x1d: {  	s5 =	simm.s32 @p1 $0x1;
	p0 =	seq.s32 s7, s2  }
0x1e: {  	s7 =	smul.u32 @!p0 $0xF7A, s2;
	p2 =	seq.s32 @!p0 s5, $0x0  }
0x1f: {  	s9 =	smul.u32 $0xF7A, s1;
	s8 =	simm.s32 @!p0 $0x1BF5;
	p2 =	por !p2, p0  }
0x20: {  	[sflag:s8] =	ssyncset.s32 @!p0 $0xFFFFF086;
	s6 =	sadd.s32 @!p0 s3, s7;
	s7 =	simm.s32 @!p0 $0x108  }
0x21: {  	s3 =	sadd.s32 s3, s9;
	s6 =	sadd.s32 @!p0 $0x88, s6;
	s7 =	simm.s32 @p2 $0x1082  }
0x22: {  	[simem:s7], [sflag:s8] =	dma.local @!p0 [hbm:s6], $0xF7A  }
0x23: {  	s9 =	sor.u32 $0xD0000000, s2;
	s6 =	simm.s32 $0x108;
	_ =	swait.ge @!p0 [sflag:s8], $0x0  }
0x24: {  	s3 =	sadd.s32 $0x88, s3;
	s6 =	simm.s32 @!p1 $0x1082;
	[sflag:s4] =	ssyncset.s32 $0xFFFFF086  }
0x25: {  	[simem:s6], [sflag:s4] =	dma.local [hbm:s3], $0xF7A  }
0x26: {  	[smem:$0x3F9E] =	sst s1;
	(tag) =	ssettag s2;
	_ =	strace s9  }
0x27: {  	s1 =	sld [smem:$0x3FAE]  }
0x28: {  	s2 =	sld [smem:$0x3FAF]  }
0x29: {  	s4 =	sld [smem:$0x3FB1]  }
0x2a: {  	p0 =	seq.s32 s5, $0x0;
	s5 =	sld [smem:$0x3FB2]  }
0x2b: {  	s6 =	sld [smem:$0x3FB3]  }
0x2c: {  	s7 =	sld [smem:$0x3FB4]  }
0x2d: {  	s3 =	simm.s32 $0x108;
	s8 =	sld [smem:$0x3FB5]  }
0x2e: {  	s3 =	simm.s32 @!p0 $0x1082;
	s9 =	sld [smem:$0x3FB6]  }
0x2f: {  	lr =	sadd.s32 s0, s3;
	s0 =	sld [smem:$0x3FAD]  }
0x30: {  	s3 =	sld [smem:$0x3FB0]  }
0x31: {  	[smem:$0x3FB9] =	sst s10  }
0x32: {  	s10 =	sld [smem:$0x3FB7];
	_ =	sdelay $0x3  }
0x33: {  	p0 =	seq.s32 s10, $0x1;
	s10 =	sld [smem:$0x3FB9];
	_ =	sdelay $0x3  }
0x34: {  	[smem:$0x3FB9] =	sst s10  }
0x35: {  	s10 =	sld [smem:$0x3FB8];
	_ =	sdelay $0x3  }
0x36: {  	p1 =	seq.s32 s10, $0x1;
	s10 =	sld [smem:$0x3FB9];
	_ =	sdelay $0x3  }
0x37: {  	[smem:$0x3FB9] =	sst s10  }
0x38: {  	s10 =	sld [smem:$0x3FBA]  }
0x39: {  	_ = 	snop;
	(pc) =	sbr.ind lr, $3  }
0x3a: {  	_ = 	snop  }
0x3b: {  	_ = 	snop  }
0x3c: {  	p2 =	seq.s32 s10, $0x1;
	s10 =	sld [smem:$0x3FB9]  }
0x3d: {  	_ =	shalt  }
0x3e: {  	_ =	shalt  }
0x3f: {  	_ =	shalt  }
0x40: {  	_ =	shalt  }
0x41: {  	_ =	shalt  }
0x42: {  	_ =	shalt  }
0x43: {  	_ =	shalt  }
0x44: {  	_ =	shalt  }
0x45: {  	_ =	shalt  }
0x46: {  	_ =	shalt  }
0x47: {  	_ =	shalt  }
0x48: {  	_ =	shalt  }
0x49: {  	_ =	shalt  }
0x4a: {  	_ =	shalt  }
0x4b: {  	_ =	shalt  }
0x4c: {  	_ =	shalt  }
0x4d: {  	_ =	shalt  }
0x4e: {  	_ =	shalt  }
0x4f: {  	_ =	shalt  }
0x50: {  	_ =	shalt  }
0x51: {  	_ =	shalt  }
0x52: {  	_ =	shalt  }
0x53: {  	_ =	shalt  }
0x54: {  	_ =	shalt  }
0x55: {  	_ =	shalt  }
0x56: {  	_ =	shalt  }
0x57: {  	_ =	shalt  }
0x58: {  	_ =	shalt  }
0x59: {  	_ =	shalt  }
0x5a: {  	_ =	shalt  }
0x5b: {  	_ =	shalt  }
0x5c: {  	_ =	shalt  }
0x5d: {  	_ =	shalt  }
0x5e: {  	_ =	shalt  }
0x5f: {  	_ =	shalt  }
0x60: {  	_ =	shalt  }
0x61: {  	_ =	shalt  }
0x62: {  	_ =	shalt  }
0x63: {  	_ =	shalt  }
0x64: {  	_ =	shalt  }
0x65: {  	_ =	shalt  }
0x66: {  	_ =	shalt  }
0x67: {  	_ =	shalt  }
0x68: {  	_ =	shalt  }
0x69: {  	_ =	shalt  }
0x6a: {  	_ =	shalt  }
0x6b: {  	_ =	shalt  }
0x6c: {  	_ =	shalt  }
0x6d: {  	_ =	shalt  }
0x6e: {  	_ =	shalt  }
0x6f: {  	_ =	shalt  }
0x70: {  	_ =	shalt  }
0x71: {  	_ =	shalt  }
0x72: {  	_ =	shalt  }
0x73: {  	_ =	shalt  }
0x74: {  	_ =	shalt  }
0x75: {  	_ =	shalt  }
0x76: {  	_ =	shalt  }
0x77: {  	_ =	shalt  }
0x78: {  	_ =	shalt  }
0x79: {  	_ =	shalt  }
0x7a: {  	_ =	shalt  }
0x7b: {  	_ =	shalt  }
0x7c: {  	_ =	shalt  }
0x7d: {  	_ =	shalt  }
0x7e: {  	_ =	shalt  }
0x7f: {  	_ =	shalt  }
0x80: {  	_ =	shalt  }
0x81: {  	_ =	shalt  }
0x82: {  	_ =	shalt  }
0x83: {  	_ =	shalt  }
0x84: {  	_ =	shalt  }
0x85: {  	_ =	shalt  }
0x86: {  	_ =	shalt  }
0x87: {  	_ =	shalt  }
.Lfunc_end0:
.L_simem_size_0:
called_computation_lowered:
.L_overlay_start_0:
0x88: {  	s2 =	sld [smem:$0x3FD9]  }
0x89: {  	s3 =	sld [smem:$0x3FFE];
	_ =	sdelay $0x1  }
0x8a: {  	s1 =	srdreg.scid  }
0x8b: {  	s0 =	sand.u32 $0x1, s1  }
0x8c: {  	s18 =	sshll.u32 s0, $0xA;
	s2 =	sadd.s32 s3, s2  }
0x8d: {  	s2 =	sadd.s32 s2, s18  }
0x8e: {  	[smem:$0x3FC5] =	sst s2  }
0x8f: {  	_ = 	snop  }
0x90: {  	s2 =	sld [smem:$0x3FC9]  }
0x91: {  	s19 =	sld [smem:$0x3FC8]  }
0x92: {  	s4 =	sld [smem:$0x3FC7]  }
0x93: {  	s5 =	sld [smem:$0x3FD0];
	(tm) =	ssettm $0x1  }
0x94: {  	s6 =	sld [smem:$0x3FFB];
	_ =	sdelay $0x3  }
0x95: {  	_ =	strace s6  }
0x96: {  	s6 =	sld [smem:$0x3FFC];
	_ =	sdelay $0x3  }
0x97: {  	_ =	strace s6  }
0x98: {  	s6 =	sld [smem:$0x3FFD];
	_ =	sdelay $0x3  }
0x99: {  	_ =	strace s6  }
0x9a: {  	_ =	strace $0x8FFFFFFF  }
0x9b: {  	s20 =	sld [smem:$0x3FDB];
	_ =	sdelay $0x1  }
0x9c: {  	s7 =	simm.s32 $_scs_section_size  }
0x9d: {  	s8 =	simm.s32 $_size__tile_overlayer_lowered;
	s9 =	simm.s32 $_tile_overlayer_lowered  }
0x9e: {  	s23 =	simm.s32 $0x1BFF;
	s22 =	sshll.u32 s9, $0x1;
	s6 =	sadd.s32 s7, s20  }
0x9f: {  	s10 =	simm.s32 $0x0;
	s21 =	sshll.u32 s8, $0x1;
	s8 =	sadd.s32 s22, s6  }
0xa0: {  	[timem:s10], [sflag:s23] =	dma.local [hbm:s8], s21  }
0xa1: {  	_ =	swait.ge [sflag:s23], s21  }
0xa2: {  	s7 =	ssub.s32 $0x0, s21;
	[sflag:s23] =	ssyncset.done $0x0  }
0xa3: {  	[sflag:s23] =	ssyncadd.s32 s7;
	_ =	sdelay $0x1  }
0xa4: {  	s24 =	simm.s32 $0x1B8B  }
0xa5: {  	_ =	swait.ge [sflag:s24], $0x1  }
0xa6: {  	[sflag:s24] =	ssyncset.done $0x0  }
0xa7: {  	s25 =	simm.s32 $0x1B8E;
	[sflag:s24] =	ssyncadd.s32 $0xFFFFFFFF  }
0xa8: {  	s26 =	simm.s32 $execute0_lowered;
	[smem:$0x3FD2] =	sst s25  }
0xa9: {  	s7 =	sshll.u32 s26, $0x1;
	_ =	strace $0x80000046;
	[dreg:$0x1] =	wrdreg $0xFFFFFFFF  }
0xaa: {  	s28 =	simm.s32 $_size_execute0_lowered;
	s6 =	sadd.s32 s6, s7;
	[dreg:$0x0] =	wrdreg $0x0  }
0xab: {  	s7 =	sshll.u32 s28, $0x1;
	[dreg:$0x2] =	wrdreg s6  }
0xac: {  	[dreg:$0x3] =	wrdreg s7  }
0xad: {  	[dreg:$0x4] =	wrdreg $0xC0  }
0xae: {  	_ =	task [dreg:s10], $0x5FFFF  }
0xaf: {  	[dreg:$0x1] =	wrdreg $0xFFFFFFFF  }
0xb0: {  	[dreg:$0x0] =	wrdreg $0x60  }
0xb1: {  	[dreg:$0x2] =	wrdreg s2  }
0xb2: {  	[dreg:$0x3] =	wrdreg s19  }
0xb3: {  	[dreg:$0x4] =	wrdreg s4  }
0xb4: {  	[dreg:$0x5] =	wrdreg s5  }
0xb5: {  	[dreg:$0x6] =	wrdreg $0xA1000  }
0xb6: {  	[dreg:$0x7] =	wrdreg $0x9  }
0xb7: {  	_ =	task.clear_ibuf [dreg:s10], $0x8FFFF;
	_ =	strace $0x90000046  }
0xb8: {  	s29 =	simm.s32 $0x9;
	_ =	strace $0x80000048  }
0xb9: {  	_ =	swait.ge [sflag:s29], $0x1  }
0xba: {  	[sflag:s29] =	ssyncadd.s32 $0xFFFFFFFF  }
0xbb: {  	_ =	strace $0x90000048  }
0xbc: {  	_ =	sfence  }
0xbd: {  	s30 =	sld [smem:$0x0];
	_ =	sdelay $0x2  }
0xbe: {  	s31 =	sshll.u32 s1, $0xD;
	s1 =	sshrl.u32 s1, $0x2  }
0xbf: {  	s3 =	sand.u32 $0x4000, s31;
	s1 =	sadd.s32 s1, s30  }
0xc0: {  	s0 =	sor.u32 s3, s0;
	s1 =	sshll.u32 s1, $0x11  }
0xc1: {  	s0 =	sor.u32 s1, s0  }
0xc2: {  	s0 =	sadd.s32 $0x8F2B, s0  }
0xc3: {  	[sflag:s0] =	ssyncadd.remote.s32 $0x1  }
0xc4: {  	_ =	sfence.sel $0xFFFF  }
0xc5: {  	[dreg:$0x0] =	wrdreg $0xFFFFFFFF;
	(pc) =	sbr.abs _section_cstart, $3  }
0xc6: {  	[dreg:$0x1] =	wrdreg $0xFFFFFFFF  }
0xc7: {  	_ =	task.clear_ibuf [dreg:s10], $0x2FFFF;
	_ =	strace $0x9FFFFFFF  }
0xc8: {  	(tm) =	ssettm $0x7FFFFFFF  }
0xc9: {  	_ =	shalt  }
tec
execute0_lowered:
.L_overlay_start_1:
0x0: {  	(tag) =	ssettag $0x1  }
0x1: {  	s24 =	stileid.u32  }
0x2: {  	s0 =	srdreg.scid;
	s6 =	smul.u32 $0x2710, s24  }
0x3: {  	s5 =	sand.u32 $0x1, s0;
	s10 =	smul.u32 $0x2800, s24  }
0x4: {  	s9 =	sor.u32 $0x10, s24;
	s4 =	smul.u32 $0x138800, s5  }
0x5: {  	s11 =	sor.u32 $0x20, s24;
	s12 =	smul.u32 $0x2800, s9  }
0x6: {  	s1 =	rddreg [dreg:$0x0];
	s13 =	sor.u32 $0x30, s24;
	s14 =	smul.u32 $0x2800, s11  }
0x7: {  	s2 =	rddreg [dreg:$0x1];
	s16 =	sor.u32 $0x40, s24;
	s15 =	smul.u32 $0x2800, s13  }
0x8: {  	s7 =	rddreg [dreg:$0x2];
	s18 =	sor.u32 $0x50, s24;
	s19 =	smul.u32 $0x2800, s16  }
0x9: {  	s8 =	rddreg [dreg:$0x3];
	s20 =	sor.u32 $0x60, s24;
	s25 =	smul.u32 $0x2800, s18  }
0xa: {  	s3 =	rddreg [dreg:$0x4];
	s21 =	sor.u32 $0x70, s24;
	s22 =	smul.u32 $0x2800, s20  }
0xb: {  	s31 =	simm.s32 $0x2900;
	s28 =	simm.s32 $0x5;
	s23 =	smul.u32 $0x2800, s21  }
0xc: {  	s29 =	simm.s32 $0x6;
	s0 =	ssub.s32 $0x2, s5;
	s9 =	smul.u32 $0xA000, s9  }
0xd: {  	p0 =	sgt.u32 s24, $0xC;
	s11 =	smul.u32 $0xA000, s11;
	s17 =	sshrl.u32 s0, $0x1  }
0xe: {  	s6 =	sshrl.u32 s6, $0x3;
	s0 =	ssub.s32 s0, s17;
	s10 =	sadd.s32 s10, s4  }
0xf: {  	s12 =	sadd.s32 s4, s12;
	s14 =	sadd.s32 s4, s14;
	s15 =	sadd.s32 s4, s15  }
0x10: {  	s19 =	sadd.s32 s4, s19;
	s17 =	sadd.s32 s4, s25;
	s22 =	sadd.s32 s4, s22  }
0x11: {  	s23 =	sadd.s32 s4, s23;
	s4 =	simm.s32 $0x0;
	s2 =	sadd.s32 s2, s6  }
0x12: {  	[smem:$0x7FF] =	sst s4;
	s10 =	sshrl.u32 s10, $0x3;
	s12 =	sshrl.u32 s12, $0x3  }
0x13: {  	s30 =	sshrl.u32 s14, $0x3;
	s14 =	sshrl.u32 s19, $0x3;
	s19 =	sshrl.u32 s17, $0x3  }
0x14: {  	s22 =	sshrl.u32 s22, $0x3;
	s25 =	sshrl.u32 s23, $0x3;
	[dreg:$0xe] =	wrdreg s2  }
0x15: {  	s17 =	smul.u32 $0xA000, s20;
	s0 =	smax.u32 s0, $0x1;
	s10 =	sadd.s32 s8, s10  }
0x16: {  	s26 =	sadd.s32 s8, s12;
	s12 =	sshrl.u32 s15, $0x3;
	[dreg:$0x6] =	wrdreg s10  }
0x17: {  	s15 =	sadd.s32 s8, s14;
	s14 =	sshll.u32 s5, $0x3;
	[dreg:$0x7] =	wrdreg s26  }
0x18: {  	s10 =	sadd.s32 s8, s30;
	[dreg:$0xa] =	wrdreg s15;
	s26 =	smul.u32 $0x4E2, s24  }
0x19: {  	s30 =	sadd.s32 s7, s6;
	s6 =	smul.u32 $0xA000, s24;
	v0 =	vmov s14;
	s14 =	simm.s32 $0x0  }
0x1a: {  	[dreg:$0x8] =	wrdreg s10;
	s10 =	sadd.s32 s8, s12;
	s12 =	sshrl.u32 s9, $0x2  }
0x1b: {  	s24 =	sadd.s32 $0xA, s30;
	s15 =	sadd.s32 s26, s7;
	s7 =	smul.u32 $0xA000, s13  }
0x1c: {  	s9 =	simm.s32 $0x2880;
	[dreg:$0x9] =	wrdreg s10;
	s13 =	smul.u32 $0xA000, s18  }
0x1d: {  	s10 =	sadd.s32 s8, s19;
	s2 =	sshrl.u32 s6, $0x2;
	s18 =	smul.u32 $0xA000, s21  }
0x1e: {  	s26 =	sadd.s32 $0x1E, s30;
	[dreg:$0xb] =	wrdreg s10;
	s10 =	sadd.s32 s8, s22  }
0x1f: {  	s8 =	sadd.s32 s8, s25;
	s2 =	sadd.s32 s2, s3;
	[dreg:$0xc] =	wrdreg s10  }
0x20: {  	s22 =	sshrl.u32 s17, $0x2;
	s25 =	sadd.s32 $0x14, s30;
	[dreg:$0xd] =	wrdreg s8  }
0x21: {  	s8 =	smul.u32 $0xA000, s16;
	s16 =	sshrl.u32 s11, $0x2;
	s6 =	sshrl.u32 s7, $0x2  }
0x22: {  	s21 =	sshrl.u32 s13, $0x2;
	_ =	strace $0x80000047;
	[dreg:$0x10] =	wrdreg s2  }
0x23: {  	s23 =	sshrl.u32 s18, $0x2;
	s22 =	sadd.s32 s22, s3;
	[dreg:$0x13] =	wrdreg s0  }
0x24: {  	s7 =	simm.s32 $0x5100;
	s10 =	simm.s32 $0x7900;
	[dreg:$0x14] =	wrdreg s24  }
0x25: {  	s13 =	simm.s32 $0x8;
	s2 =	sadd.s32 s12, s3;
	[dreg:$0x15] =	wrdreg s25  }
0x26: {  	s19 =	sadd.s32 s6, s3;
	s21 =	sadd.s32 s21, s3;
	[dreg:$0x16] =	wrdreg s26  }
0x27: {  	s23 =	sadd.s32 s23, s3;
	[dreg:$0xf] =	wrdreg s30;
	s30 =	sadd.s32 $0x28, s30  }
0x28: {  	s0 =	simm.s32 $0x2780;
	s6 =	simm.s32 $0x50;
	s12 =	simm.s32 $0x2  }
0x29: {  	s24 =	simm.s32 $0x4;
	s25 =	simm.s32 $0x3;
	[dreg:$0x11] =	wrdreg s2  }
0x2a: {  	s26 =	simm.s32 $0x9;
	s2 =	sadd.s32 s16, s3;
	[dreg:$0x17] =	wrdreg s30  }
0x2b: {  	s5 =	sshrl.u32 s8, $0x2;
	s8 =	simm.s32 $0x7;
	[dreg:$0x12] =	wrdreg s2  }
0x2c: {  	v1 =	vimm.f32 $0.0e+00;
	s20 =	sadd.s32 s5, s3;
	s2 =	simm.s32 $0x1;
	s5 =	simm.s32 $0x2800  }
.LBB2_1:
0x2d: {  	s11 =	rddreg [dreg:$0xe];
	s30 =	simm.s32 $0xA  }
0x2e: {  	[tilespmem:s4], [sflag:$0xA] =	stream.linear.gather [hbm4b:s11+s4], $0x2710, $0x38;
	[tilespmem:$0x1D980] =	vst v63  }
0x2f: {  	_ =	swait.ge [sflag:s30], $0x2710  }
0x30: {  	[sflag:s30] =	ssyncset.done $0x0  }
0x31: {  	s11 =	simm.s32 $0x0;
	[sflag:s30] =	ssyncadd.s32 $0xFFFFD8F0  }
0x32: {  	v2 =	vld [tilespmem:s11+$0x10];
	_ =	sdelay $0x1  }
0x33: {  	v5 =	vld [tilespmem:s11+$0x30];
	_ =	sdelay $0x1  }
0x34: {  	v3 =	vld [tilespmem:s11+$0x40]  }
0x35: {  	v4 =	vshll.u32 v2, $0x1  }
0x36: {  	v2 =	vand.u32 $0x7, v2;
	v6 =	vand.u32 $0xFFFFFFF0, v4;
	v4 =	vld [tilespmem:s11+$0x20]  }
0x37: {  	v7 =	vshll.u32 v5, $0x1;
	v8 =	vand.u32 $0x7, v5;
	v5 =	vor.u32 v6, v2;
	v2 =	vld [tilespmem:s11+$0x0]  }
0x38: {  	v6 =	vand.u32 $0xFFFFFFF0, v7  }
0x39: {  	s16 =	simm.s32 $0x140;
	v7 =	vshll.u32 v3, $0x1;
	v5 =	vor.u32 v0, v5;
	v6 =	vor.u32 v6, v8  }
.LBB2_2:
0x3a: {  	s30 =	sshra.s32 s16, $0x2;
	p1 =	sne.s32 s16, $0x9B00;
	s16 =	sadd.s32 $0x140, s16;
	[tilespmem:s11+$0x10] =	vst v5;
	v5 =	vor.u32 v0, v6;
	v6 =	vand.u32 $0xFFFFFFF0, v7;
	v3 =	vand.u32 $0x7, v3  }
0x3b: {  	v7 =	vld [tilespmem:s30+$0x10];
	v8 =	vshll.u32 v4, $0x1;
	v4 =	vand.u32 $0x7, v4;
	[tilespmem:s11+$0x30] =	vst v5;
	v3 =	vor.u32 v6, v3  }
0x3c: {  	v5 =	vld [tilespmem:s30+$0x30];
	v6 =	vshll.u32 v2, $0x1;
	v8 =	vand.u32 $0xFFFFFFF0, v8;
	v3 =	vor.u32 v0, v3  }
0x3d: {  	v2 =	vand.u32 $0x7, v2;
	v6 =	vand.u32 $0xFFFFFFF0, v6;
	v4 =	vor.u32 v8, v4;
	[tilespmem:s11+$0x40] =	vst v3  }
0x3e: {  	v3 =	vld [tilespmem:s30+$0x40];
	v2 =	vor.u32 v6, v2;
	v4 =	vor.u32 v0, v4  }
.Ltmp0:
0x3f: {  	v2 =	vor.u32 v0, v2;
	[tilespmem:s11+$0x20] =	vst v4;
	(pc) =	sbr.rel @p1 .LBB2_2-.Ltmp0, $4  }
0x40: {  	v6 =	vshll.u32 v7, $0x1;
	v7 =	vand.u32 $0x7, v7;
	v4 =	vld [tilespmem:s30+$0x20];
	[tilespmem:s11+$0x0] =	vst v2;
	s11 =	smov.u32 s30  }
0x41: {  	v2 =	vld [tilespmem:s11+$0x0];
	v6 =	vand.u32 $0xFFFFFFF0, v6;
	v8 =	vshll.u32 v5, $0x1;
	v9 =	vand.u32 $0x7, v5  }
0x42: {  	v5 =	vor.u32 v6, v7;
	v6 =	vand.u32 $0xFFFFFFF0, v8  }
0x43: {  	v5 =	vor.u32 v0, v5;
	v6 =	vor.u32 v6, v9;
	v7 =	vshll.u32 v3, $0x1  }
0x44: {  	v6 =	vor.u32 v0, v6;
	v7 =	vand.u32 $0xFFFFFFF0, v7;
	v3 =	vand.u32 $0x7, v3  }
0x45: {  	v3 =	vor.u32 v7, v3;
	v61 =	vshll.u32 v4, $0x1;
	v62 =	vand.u32 $0x7, v4  }
0x46: {  	[tilespmem:s11+$0x10] =	vst v5;
	v63 =	vshll.u32 v2, $0x1;
	v7 =	vand.u32 $0xFFFFFFF0, v61;
	v3 =	vor.u32 v0, v3  }
0x47: {  	[tilespmem:s11+$0x30] =	vst v6;
	v2 =	vand.u32 $0x7, v2;
	v5 =	vand.u32 $0xFFFFFFF0, v63;
	v4 =	vor.u32 v7, v62  }
0x48: {  	[tilespmem:s11+$0x40] =	vst v3;
	v2 =	vor.u32 v5, v2;
	v3 =	vor.u32 v0, v4  }
0x49: {  	v2 =	vor.u32 v0, v2;
	[tilespmem:s11+$0x20] =	vst v3  }
0x4a: {  	s16 =	simm.s32 $0x200;
	[tilespmem:s11+$0x0] =	vst v2;
	s11 =	simm.s32 $0x0  }
.LBB2_4:
0x4b: {  	p1 =	sne.s32 s16, $0x9E00;
	[tilespmem:s11+$0x2970] =	vst v1  }
0x4c: {  	[tilespmem:s11+$0x2900] =	vst v1  }
0x4d: {  	[tilespmem:s11+$0x2910] =	vst v1  }
.Ltmp1:
0x4e: {  	[tilespmem:s11+$0x2920] =	vst v1;
	(pc) =	sbr.rel @p1 .LBB2_4-.Ltmp1, $4  }
0x4f: {  	[tilespmem:s11+$0x2930] =	vst v1  }
0x50: {  	[tilespmem:s11+$0x2940] =	vst v1  }
0x51: {  	[tilespmem:s11+$0x2950] =	vst v1  }
0x52: {  	[tilespmem:s11+$0x2960] =	vst v1;
	s11 =	sshra.s32 s16, $0x2;
	s16 =	sadd.s32 $0x200, s16  }
0x53: {  	[tilespmem:s11+$0x2970] =	vst v1  }
0x54: {  	[tilespmem:s11+$0x2900] =	vst v1  }
0x55: {  	[tilespmem:s11+$0x2910] =	vst v1  }
0x56: {  	[tilespmem:s11+$0x2920] =	vst v1  }
0x57: {  	[tilespmem:s11+$0x2930] =	vst v1  }
0x58: {  	[tilespmem:s11+$0x2940] =	vst v1  }
0x59: {  	[tilespmem:s11+$0x2950] =	vst v1  }
0x5a: {  	[tilespmem:s11+$0x2960] =	vst v1;
	s17 =	rddreg [dreg:$0x10]  }
0x5b: {  	[spmem:s17] =	stream.linear.scatter [tilespmem:s31], [sflag:$0x1], $0x2800, $0x38;
	[tilespmem:$0x1D980] =	vst v63  }
0x5c: {  	s18 =	rddreg [dreg:$0x11]  }
0x5d: {  	[spmem:s18] =	stream.linear.scatter [tilespmem:s31], [sflag:$0x1], $0x2800, $0x38;
	[tilespmem:$0x1D980] =	vst v63  }
0x5e: {  	s16 =	rddreg [dreg:$0x12]  }
0x5f: {  	[spmem:s16] =	stream.linear.scatter [tilespmem:s31], [sflag:$0x1], $0x2800, $0x38;
	[tilespmem:$0x1D980] =	vst v63  }
0x60: {  	_ = 	snop  }
0x61: {  	[spmem:s19] =	stream.linear.scatter [tilespmem:s31], [sflag:$0x1], $0x2800, $0x38;
	[tilespmem:$0x1D980] =	vst v63  }
0x62: {  	_ = 	snop  }
0x63: {  	[spmem:s20] =	stream.linear.scatter [tilespmem:s31], [sflag:$0x1], $0x2800, $0x38;
	[tilespmem:$0x1D980] =	vst v63  }
0x64: {  	_ = 	snop  }
0x65: {  	[spmem:s21] =	stream.linear.scatter [tilespmem:s31], [sflag:$0x1], $0x2800, $0x38;
	[tilespmem:$0x1D980] =	vst v63  }
0x66: {  	_ = 	snop  }
0x67: {  	[spmem:s22] =	stream.linear.scatter [tilespmem:s31], [sflag:$0x1], $0x2800, $0x38;
	[tilespmem:$0x1D980] =	vst v63  }
0x68: {  	s11 =	simm.s32 @!p0 $0x2900  }
0x69: {  	[spmem:s23] =	stream.linear.scatter @!p0 [tilespmem:s11], [sflag:$0x1], $0x2800, $0x38;
	[tilespmem:$0x1D980] =	vst v63  }
0x6a: {  	_ =	swait.ge [sflag:s2], $0x2800  }
0x6b: {  	[sflag:s2] =	ssyncset.done $0x0  }
0x6c: {  	[sflag:s2] =	ssyncadd.s32 $0xFFFFD800  }
0x6d: {  	_ =	swait.ge [sflag:s2], $0x2800  }
0x6e: {  	[sflag:s2] =	ssyncset.done $0x0  }
0x6f: {  	[sflag:s2] =	ssyncadd.s32 $0xFFFFD800  }
0x70: {  	_ =	swait.ge [sflag:s2], $0x2800  }
0x71: {  	[sflag:s2] =	ssyncset.done $0x0  }
0x72: {  	[sflag:s2] =	ssyncadd.s32 $0xFFFFD800  }
0x73: {  	_ =	swait.ge [sflag:s2], $0x2800  }
0x74: {  	[sflag:s2] =	ssyncset.done $0x0  }
0x75: {  	[sflag:s2] =	ssyncadd.s32 $0xFFFFD800  }
0x76: {  	_ =	swait.ge [sflag:s2], $0x2800  }
0x77: {  	[sflag:s2] =	ssyncset.done $0x0  }
0x78: {  	[sflag:s2] =	ssyncadd.s32 $0xFFFFD800  }
0x79: {  	_ =	swait.ge [sflag:s2], $0x2800  }
0x7a: {  	[sflag:s2] =	ssyncset.done $0x0  }
0x7b: {  	[sflag:s2] =	ssyncadd.s32 $0xFFFFD800  }
0x7c: {  	_ =	swait.ge [sflag:s2], $0x2800  }
0x7d: {  	[sflag:s2] =	ssyncset.done $0x0  }
0x7e: {  	s11 =	simm.s32 @!p0 $0x1;
	[sflag:s2] =	ssyncadd.s32 $0xFFFFD800  }
0x7f: {  	_ =	swait.ge @!p0 [sflag:s11], $0x2800  }
0x80: {  	[sflag:s11] =	ssyncset.done @!p0 $0x0  }
0x81: {  	[sflag:s11] =	ssyncadd.s32 @!p0 $0xFFFFD800  }
0x82: {  	[bflag:$0x0] =	sbarrier.arrive $0xFFFF  }
0x83: {  	s11 =	simm.s32 $0x0;
	s16 =	rddreg [dreg:$0xf]  }
0x84: {  	[tilespmem:s0], [sflag:$0x7] =	stream.linear.gather [hbm4b:s16+s11], $0x50, $0x38;
	[tilespmem:$0x1D980] =	vst v63  }
0x85: {  	s17 =	rddreg [dreg:$0x14]  }
0x86: {  	[tilespmem:s5], [sflag:$0x8] =	stream.linear.gather [hbm4b:s17+s11], $0x50, $0x38;
	[tilespmem:$0x1D980] =	vst v63  }
0x87: {  	_ = 	snop  }
0x88: {  	[tilespmem:s31], [sflag:$0x1] =	stream.indirect.gather [hbm4b:s1+s6], $0x80, s11, s6, $0xb8;
	[tilespmem:$0x1D980] =	vst v63  }
0x89: {  	_ = 	snop  }
0x8a: {  	[tilespmem:s7], [sflag:$0x2] =	stream.indirect.gather [hbm4b:s1+s6], $0x80, s6, s6, $0xb8;
	[tilespmem:$0x1D980] =	vst v63  }
0x8b: {  	_ =	swait.ge [sflag:s2], $0x2800  }
0x8c: {  	[sflag:s2] =	ssyncset.done $0x0  }
0x8d: {  	[sflag:s2] =	ssyncadd.s32 $0xFFFFD800  }
0x8e: {  	_ =	swait.ge [sflag:s8], $0x50  }
0x8f: {  	[sflag:s8] =	ssyncset.done $0x0  }
0x90: {  	[sflag:s8] =	ssyncadd.s32 $0xFFFFFFB0  }
0x91: {  	[spmem:s3] =	stream.indirect.scatter.add.f32 [tilespmem:s31], [sflag:$0x4], $0x80, s0, s6, $0xb8;
	[tilespmem:$0x1D980] =	vst v63  }
0x92: {  	s18 =	rddreg [dreg:$0x15]  }
0x93: {  	[tilespmem:s9], [sflag:$0x9] =	stream.linear.gather [hbm4b:s18+s11], $0x50, $0x38;
	[tilespmem:$0x1D980] =	vst v63  }
0x94: {  	s17 =	simm.s32 $0xA0  }
0x95: {  	[tilespmem:s10], [sflag:$0x3] =	stream.indirect.gather [hbm4b:s1+s6], $0x80, s17, s6, $0xb8;
	[tilespmem:$0x1D980] =	vst v63  }
0x96: {  	_ =	swait.ge [sflag:s12], $0x2800  }
0x97: {  	[sflag:s12] =	ssyncset.done $0x0  }
0x98: {  	[sflag:s12] =	ssyncadd.s32 $0xFFFFD800  }
0x99: {  	_ =	swait.ge [sflag:s13], $0x50  }
0x9a: {  	[sflag:s13] =	ssyncset.done $0x0  }
0x9b: {  	[sflag:s13] =	ssyncadd.s32 $0xFFFFFFB0  }
0x9c: {  	[spmem:s3] =	stream.indirect.scatter.add.f32 [tilespmem:s7], [sflag:$0x5], $0x80, s5, s6, $0xb8;
	[tilespmem:$0x1D980] =	vst v63  }
0x9d: {  	_ =	swait.ge [sflag:s24], $0x2800  }
0x9e: {  	[sflag:s24] =	ssyncset.done $0x0  }
0x9f: {  	s18 =	rddreg [dreg:$0x16];
	[sflag:s24] =	ssyncadd.s32 $0xFFFFD800  }
0xa0: {  	[tilespmem:s0], [sflag:$0x7] =	stream.linear.gather [hbm4b:s18+s11], $0x50, $0x38;
	[tilespmem:$0x1D980] =	vst v63  }
0xa1: {  	s17 =	simm.s32 $0xF0  }
0xa2: {  	[tilespmem:s31], [sflag:$0x1] =	stream.indirect.gather [hbm4b:s1+s6], $0x80, s17, s6, $0xb8;
	[tilespmem:$0x1D980] =	vst v63  }
0xa3: {  	_ =	swait.ge [sflag:s25], $0x2800  }
0xa4: {  	[sflag:s25] =	ssyncset.done $0x0  }
0xa5: {  	[sflag:s25] =	ssyncadd.s32 $0xFFFFD800  }
0xa6: {  	_ =	swait.ge [sflag:s26], $0x50  }
0xa7: {  	[sflag:s26] =	ssyncset.done $0x0  }
0xa8: {  	[sflag:s26] =	ssyncadd.s32 $0xFFFFFFB0  }
0xa9: {  	[spmem:s3] =	stream.indirect.scatter.add.f32 [tilespmem:s10], [sflag:$0x6], $0x80, s9, s6, $0xb8;
	[tilespmem:$0x1D980] =	vst v63  }
0xaa: {  	_ =	swait.ge [sflag:s28], $0x2800  }
0xab: {  	[sflag:s28] =	ssyncset.done $0x0  }
0xac: {  	s18 =	rddreg [dreg:$0x17];
	[sflag:s28] =	ssyncadd.s32 $0xFFFFD800  }
0xad: {  	[tilespmem:s5], [sflag:$0x8] =	stream.linear.gather [hbm4b:s18+s11], $0x50, $0x38;
	[tilespmem:$0x1D980] =	vst v63  }
0xae: {  	s16 =	simm.s32 $0x140  }
0xaf: {  	[tilespmem:s7], [sflag:$0x2] =	stream.indirect.gather [hbm4b:s1+s6], $0x80, s16, s6, $0xb8;
	[tilespmem:$0x1D980] =	vst v63  }
0xb0: {  	_ =	swait.ge [sflag:s2], $0x2800  }
0xb1: {  	[sflag:s2] =	ssyncset.done $0x0  }
0xb2: {  	[sflag:s2] =	ssyncadd.s32 $0xFFFFD800  }
0xb3: {  	_ =	swait.ge [sflag:s8], $0x50  }
0xb4: {  	[sflag:s8] =	ssyncset.done $0x0  }
0xb5: {  	[sflag:s8] =	ssyncadd.s32 $0xFFFFFFB0  }
0xb6: {  	[spmem:s3] =	stream.indirect.scatter.add.f32 [tilespmem:s31], [sflag:$0x4], $0x80, s0, s6, $0xb8;
	[tilespmem:$0x1D980] =	vst v63  }
0xb7: {  	_ =	swait.ge [sflag:s29], $0x2800  }
0xb8: {  	s11 =	sadd.s32 $0x0, s15;
	[sflag:s29] =	ssyncset.done $0x0  }
0xb9: {  	s17 =	sadd.s32 $0x32, s11;
	[sflag:s29] =	ssyncadd.s32 $0xFFFFD800  }
0xba: {  	[tilespmem:s9], [sflag:$0x9] =	stream.linear.gather [hbm4b:s17+s4], $0x50, $0x38;
	[tilespmem:$0x1D980] =	vst v63  }
0xbb: {  	s18 =	simm.s32 $0x190  }
0xbc: {  	[tilespmem:s10], [sflag:$0x3] =	stream.indirect.gather [hbm4b:s1+s6], $0x80, s18, s6, $0xb8;
	[tilespmem:$0x1D980] =	vst v63  }
0xbd: {  	_ =	swait.ge [sflag:s12], $0x2800  }
0xbe: {  	[sflag:s12] =	ssyncset.done $0x0  }
0xbf: {  	[sflag:s12] =	ssyncadd.s32 $0xFFFFD800  }
0xc0: {  	_ =	swait.ge [sflag:s13], $0x50  }
0xc1: {  	[sflag:s13] =	ssyncset.done $0x0  }
0xc2: {  	[sflag:s13] =	ssyncadd.s32 $0xFFFFFFB0  }
0xc3: {  	[spmem:s3] =	stream.indirect.scatter.add.f32 [tilespmem:s7], [sflag:$0x5], $0x80, s5, s6, $0xb8;
	[tilespmem:$0x1D980] =	vst v63  }
0xc4: {  	_ =	swait.ge [sflag:s24], $0x2800  }
0xc5: {  	[sflag:s24] =	ssyncset.done $0x0  }
0xc6: {  	s17 =	sadd.s32 $0x3C, s11;
	[sflag:s24] =	ssyncadd.s32 $0xFFFFD800  }
0xc7: {  	[tilespmem:s0], [sflag:$0x7] =	stream.linear.gather [hbm4b:s17+s4], $0x50, $0x38;
	[tilespmem:$0x1D980] =	vst v63  }
0xc8: {  	s18 =	simm.s32 $0x1E0  }
0xc9: {  	[tilespmem:s31], [sflag:$0x1] =	stream.indirect.gather [hbm4b:s1+s6], $0x80, s18, s6, $0xb8;
	[tilespmem:$0x1D980] =	vst v63  }
0xca: {  	_ =	swait.ge [sflag:s25], $0x2800  }
0xcb: {  	[sflag:s25] =	ssyncset.done $0x0  }
0xcc: {  	[sflag:s25] =	ssyncadd.s32 $0xFFFFD800  }
0xcd: {  	_ =	swait.ge [sflag:s26], $0x50  }
0xce: {  	[sflag:s26] =	ssyncset.done $0x0  }
0xcf: {  	[sflag:s26] =	ssyncadd.s32 $0xFFFFFFB0  }
0xd0: {  	[spmem:s3] =	stream.indirect.scatter.add.f32 [tilespmem:s10], [sflag:$0x6], $0x80, s9, s6, $0xb8;
	[tilespmem:$0x1D980] =	vst v63  }
0xd1: {  	_ =	swait.ge [sflag:s28], $0x2800  }
0xd2: {  	[sflag:s28] =	ssyncset.done $0x0  }
0xd3: {  	s11 =	sadd.s32 $0x46, s11;
	[sflag:s28] =	ssyncadd.s32 $0xFFFFD800  }
0xd4: {  	[tilespmem:s5], [sflag:$0x8] =	stream.linear.gather [hbm4b:s11+s4], $0x50, $0x38;
	[tilespmem:$0x1D980] =	vst v63  }
0xd5: {  	s30 =	simm.s32 $0x230;
	s16 =	simm.s32 $0x320;
	s11 =	simm.s32 $0x1E  }
.LBB2_6:
0xd6: {  	[tilespmem:s7], [sflag:$0x2] =	stream.indirect.gather [hbm4b:s1+s6], $0x80, s30, s6, $0xb8;
	[tilespmem:$0x1D980] =	vst v63  }
0xd7: {  	s17 =	smov.u32 s11;
	s30 =	smov.u32 s16  }
0xd8: {  	p1 =	sne.s32 s11, $0x492;
	s11 =	sadd.s32 $0x1E, s11;
	_ =	swait.ge [sflag:s2], $0x2800  }
0xd9: {  	[sflag:s2] =	ssyncset.done $0x0  }
0xda: {  	[sflag:s2] =	ssyncadd.s32 $0xFFFFD800  }
0xdb: {  	_ =	swait.ge [sflag:s8], $0x50  }
0xdc: {  	[sflag:s8] =	ssyncset.done $0x0  }
0xdd: {  	[sflag:s8] =	ssyncadd.s32 $0xFFFFFFB0  }
0xde: {  	[spmem:s3] =	stream.indirect.scatter.add.f32 [tilespmem:s31], [sflag:$0x4], $0x80, s0, s6, $0xb8;
	[tilespmem:$0x1D980] =	vst v63  }
0xdf: {  	_ =	swait.ge [sflag:s29], $0x2800  }
0xe0: {  	s17 =	sadd.s32 s17, s15;
	[sflag:s29] =	ssyncset.done $0x0  }
0xe1: {  	s18 =	sadd.s32 $0x32, s17;
	[sflag:s29] =	ssyncadd.s32 $0xFFFFD800  }
0xe2: {  	[tilespmem:s9], [sflag:$0x9] =	stream.linear.gather [hbm4b:s18+s4], $0x50, $0x38;
	[tilespmem:$0x1D980] =	vst v63  }
0xe3: {  	s18 =	sadd.s32 $0xFFFFFF60, s16  }
0xe4: {  	[tilespmem:s10], [sflag:$0x3] =	stream.indirect.gather [hbm4b:s1+s6], $0x80, s18, s6, $0xb8;
	[tilespmem:$0x1D980] =	vst v63  }
0xe5: {  	_ =	swait.ge [sflag:s12], $0x2800  }
0xe6: {  	[sflag:s12] =	ssyncset.done $0x0  }
0xe7: {  	[sflag:s12] =	ssyncadd.s32 $0xFFFFD800  }
0xe8: {  	_ =	swait.ge [sflag:s13], $0x50  }
0xe9: {  	[sflag:s13] =	ssyncset.done $0x0  }
0xea: {  	[sflag:s13] =	ssyncadd.s32 $0xFFFFFFB0  }
0xeb: {  	[spmem:s3] =	stream.indirect.scatter.add.f32 [tilespmem:s7], [sflag:$0x5], $0x80, s5, s6, $0xb8;
	[tilespmem:$0x1D980] =	vst v63  }
0xec: {  	_ =	swait.ge [sflag:s24], $0x2800  }
0xed: {  	[sflag:s24] =	ssyncset.done $0x0  }
0xee: {  	s18 =	sadd.s32 $0x3C, s17;
	[sflag:s24] =	ssyncadd.s32 $0xFFFFD800  }
0xef: {  	[tilespmem:s0], [sflag:$0x7] =	stream.linear.gather [hbm4b:s18+s4], $0x50, $0x38;
	[tilespmem:$0x1D980] =	vst v63  }
0xf0: {  	s18 =	sadd.s32 $0xFFFFFFB0, s16  }
0xf1: {  	[tilespmem:s31], [sflag:$0x1] =	stream.indirect.gather [hbm4b:s1+s6], $0x80, s18, s6, $0xb8;
	[tilespmem:$0x1D980] =	vst v63  }
0xf2: {  	_ =	swait.ge [sflag:s25], $0x2800  }
0xf3: {  	[sflag:s25] =	ssyncset.done $0x0  }
0xf4: {  	[sflag:s25] =	ssyncadd.s32 $0xFFFFD800  }
0xf5: {  	_ =	swait.ge [sflag:s26], $0x50  }
0xf6: {  	[sflag:s26] =	ssyncset.done $0x0  }
0xf7: {  	[sflag:s26] =	ssyncadd.s32 $0xFFFFFFB0  }
0xf8: {  	[spmem:s3] =	stream.indirect.scatter.add.f32 [tilespmem:s10], [sflag:$0x6], $0x80, s9, s6, $0xb8;
	[tilespmem:$0x1D980] =	vst v63  }
.Ltmp2:
0xf9: {  	_ =	swait.ge [sflag:s28], $0x2800;
	(pc) =	sbr.rel @p1 .LBB2_6-.Ltmp2, $4  }
0xfa: {  	[sflag:s28] =	ssyncset.done $0x0  }
0xfb: {  	s17 =	sadd.s32 $0x46, s17;
	[sflag:s28] =	ssyncadd.s32 $0xFFFFD800  }
0xfc: {  	[tilespmem:s5], [sflag:$0x8] =	stream.linear.gather [hbm4b:s17+s4], $0x50, $0x38;
	[tilespmem:$0x1D980] =	vst v63  }
0xfd: {  	s16 =	sadd.s32 $0xF0, s16  }
0xfe: {  	[tilespmem:s7], [sflag:$0x2] =	stream.indirect.gather [hbm4b:s1+s6], $0x80, s30, s6, $0xb8;
	[tilespmem:$0x1D980] =	vst v63  }
0xff: {  	_ =	swait.ge [sflag:s2], $0x2800  }
0x100: {  	[sflag:s2] =	ssyncset.done $0x0  }
0x101: {  	[sflag:s2] =	ssyncadd.s32 $0xFFFFD800  }
0x102: {  	_ =	swait.ge [sflag:s8], $0x50  }
0x103: {  	[sflag:s8] =	ssyncset.done $0x0  }
0x104: {  	[sflag:s8] =	ssyncadd.s32 $0xFFFFFFB0  }
0x105: {  	[spmem:s3] =	stream.indirect.scatter.add.f32 [tilespmem:s31], [sflag:$0x4], $0x80, s0, s6, $0xb8;
	[tilespmem:$0x1D980] =	vst v63  }
0x106: {  	_ =	swait.ge [sflag:s12], $0x2800  }
0x107: {  	[sflag:s12] =	ssyncset.done $0x0  }
0x108: {  	[sflag:s12] =	ssyncadd.s32 $0xFFFFD800  }
0x109: {  	_ =	swait.ge [sflag:s13], $0x50  }
0x10a: {  	[sflag:s13] =	ssyncset.done $0x0  }
0x10b: {  	[sflag:s13] =	ssyncadd.s32 $0xFFFFFFB0  }
0x10c: {  	[spmem:s3] =	stream.indirect.scatter.add.f32 [tilespmem:s7], [sflag:$0x5], $0x80, s5, s6, $0xb8;
	[tilespmem:$0x1D980] =	vst v63  }
0x10d: {  	_ =	swait.ge [sflag:s24], $0x2800  }
0x10e: {  	[sflag:s24] =	ssyncset.done $0x0  }
0x10f: {  	[sflag:s24] =	ssyncadd.s32 $0xFFFFD800  }
0x110: {  	_ =	swait.ge [sflag:s28], $0x2800  }
0x111: {  	[sflag:s28] =	ssyncset.done $0x0  }
0x112: {  	[sflag:s28] =	ssyncadd.s32 $0xFFFFD800  }
0x113: {  	_ =	swait.ge [sflag:s29], $0x2800  }
0x114: {  	[sflag:s29] =	ssyncset.done $0x0  }
0x115: {  	[sflag:s29] =	ssyncadd.s32 $0xFFFFD800  }
0x116: {  	[bflag:$0x0] =	sbarrier.arrive $0xFFFF  }
0x117: {  	s11 =	rddreg [dreg:$0x10]  }
0x118: {  	[tilespmem:s31], [sflag:$0x1] =	stream.linear.gather [spmem:s11], $0x2800, $0x38;
	[tilespmem:$0x1D980] =	vst v63  }
0x119: {  	s30 =	rddreg [dreg:$0x11]  }
0x11a: {  	[tilespmem:s7], [sflag:$0x2] =	stream.linear.gather [spmem:s30], $0x2800, $0x38;
	[tilespmem:$0x1D980] =	vst v63  }
0x11b: {  	_ =	swait.ge [sflag:s2], $0x2800  }
0x11c: {  	[sflag:s2] =	ssyncset.done $0x0  }
0x11d: {  	s16 =	rddreg [dreg:$0x6];
	[sflag:s2] =	ssyncadd.s32 $0xFFFFD800  }
0x11e: {  	[hbm4b:s16+s4] =	stream.linear.scatter [tilespmem:s31], [sflag:$0x4], $0x2800, $0x38;
	[tilespmem:$0x1D980] =	vst v63  }
0x11f: {  	_ =	swait.ge [sflag:s24], $0x2800  }
0x120: {  	[sflag:s24] =	ssyncset.done $0x0  }
0x121: {  	s17 =	rddreg [dreg:$0x12];
	[sflag:s24] =	ssyncadd.s32 $0xFFFFD800  }
0x122: {  	[tilespmem:s31], [sflag:$0x1] =	stream.linear.gather [spmem:s17], $0x2800, $0x38;
	[tilespmem:$0x1D980] =	vst v63  }
0x123: {  	_ =	swait.ge [sflag:s12], $0x2800  }
0x124: {  	[sflag:s12] =	ssyncset.done $0x0  }
0x125: {  	s18 =	rddreg [dreg:$0x7];
	[sflag:s12] =	ssyncadd.s32 $0xFFFFD800  }
0x126: {  	[hbm4b:s18+s4] =	stream.linear.scatter [tilespmem:s7], [sflag:$0x5], $0x2800, $0x38;
	[tilespmem:$0x1D980] =	vst v63  }
0x127: {  	_ =	swait.ge [sflag:s28], $0x2800  }
0x128: {  	[sflag:s28] =	ssyncset.done $0x0  }
0x129: {  	[sflag:s28] =	ssyncadd.s32 $0xFFFFD800  }
0x12a: {  	[tilespmem:s7], [sflag:$0x2] =	stream.linear.gather [spmem:s19], $0x2800, $0x38;
	[tilespmem:$0x1D980] =	vst v63  }
0x12b: {  	_ =	swait.ge [sflag:s2], $0x2800  }
0x12c: {  	[sflag:s2] =	ssyncset.done $0x0  }
0x12d: {  	s30 =	rddreg [dreg:$0x8];
	[sflag:s2] =	ssyncadd.s32 $0xFFFFD800  }
0x12e: {  	[hbm4b:s30+s4] =	stream.linear.scatter [tilespmem:s31], [sflag:$0x4], $0x2800, $0x38;
	[tilespmem:$0x1D980] =	vst v63  }
0x12f: {  	_ =	swait.ge [sflag:s24], $0x2800  }
0x130: {  	[sflag:s24] =	ssyncset.done $0x0  }
0x131: {  	[sflag:s24] =	ssyncadd.s32 $0xFFFFD800  }
0x132: {  	[tilespmem:s31], [sflag:$0x1] =	stream.linear.gather [spmem:s20], $0x2800, $0x38;
	[tilespmem:$0x1D980] =	vst v63  }
0x133: {  	_ =	swait.ge [sflag:s12], $0x2800  }
0x134: {  	[sflag:s12] =	ssyncset.done $0x0  }
0x135: {  	s16 =	rddreg [dreg:$0x9];
	[sflag:s12] =	ssyncadd.s32 $0xFFFFD800  }
0x136: {  	[hbm4b:s16+s4] =	stream.linear.scatter [tilespmem:s7], [sflag:$0x5], $0x2800, $0x38;
	[tilespmem:$0x1D980] =	vst v63  }
0x137: {  	_ =	swait.ge [sflag:s28], $0x2800  }
0x138: {  	[sflag:s28] =	ssyncset.done $0x0  }
0x139: {  	[sflag:s28] =	ssyncadd.s32 $0xFFFFD800  }
0x13a: {  	[tilespmem:s7], [sflag:$0x2] =	stream.linear.gather [spmem:s21], $0x2800, $0x38;
	[tilespmem:$0x1D980] =	vst v63  }
0x13b: {  	_ =	swait.ge [sflag:s2], $0x2800  }
0x13c: {  	[sflag:s2] =	ssyncset.done $0x0  }
0x13d: {  	s17 =	rddreg [dreg:$0xa];
	[sflag:s2] =	ssyncadd.s32 $0xFFFFD800  }
0x13e: {  	[hbm4b:s17+s4] =	stream.linear.scatter [tilespmem:s31], [sflag:$0x4], $0x2800, $0x38;
	[tilespmem:$0x1D980] =	vst v63  }
0x13f: {  	_ =	swait.ge [sflag:s24], $0x2800  }
0x140: {  	[sflag:s24] =	ssyncset.done $0x0  }
0x141: {  	[sflag:s24] =	ssyncadd.s32 $0xFFFFD800  }
0x142: {  	[tilespmem:s31], [sflag:$0x1] =	stream.linear.gather [spmem:s22], $0x2800, $0x38;
	[tilespmem:$0x1D980] =	vst v63  }
0x143: {  	_ =	swait.ge [sflag:s12], $0x2800  }
0x144: {  	[sflag:s12] =	ssyncset.done $0x0  }
0x145: {  	s18 =	rddreg [dreg:$0xb];
	[sflag:s12] =	ssyncadd.s32 $0xFFFFD800  }
0x146: {  	[hbm4b:s18+s4] =	stream.linear.scatter [tilespmem:s7], [sflag:$0x5], $0x2800, $0x38;
	[tilespmem:$0x1D980] =	vst v63  }
0x147: {  	_ =	swait.ge [sflag:s28], $0x2800  }
0x148: {  	[sflag:s28] =	ssyncset.done $0x0  }
0x149: {  	s11 =	simm.s32 @p0 $0x1;
	[sflag:s28] =	ssyncadd.s32 $0xFFFFD800  }
0x14a: {  	_ =	swait.ge @p0 [sflag:s11], $0x2800  }
0x14b: {  	s16 =	simm.s32 @p0 $0x2900;
	[sflag:s11] =	ssyncset.done @p0 $0x0  }
0x14c: {  	s18 =	rddreg [dreg:$0xc];
	[sflag:s11] =	ssyncadd.s32 @p0 $0xFFFFD800;
	s11 =	simm.s32 @p0 $0x0  }
0x14d: {  	[hbm4b:s18+s11] =	stream.linear.scatter @p0 [tilespmem:s16], [sflag:$0x4], $0x2800, $0x38;
	[tilespmem:$0x1D980] =	vst v63  }
0x14e: {  	s11 =	simm.s32 @!p0 $0x5100;
	s16 =	simm.s32 @!p0 $0x1  }
0x14f: {  	[tilespmem:s11], [sflag:$0x2] =	stream.linear.gather @!p0 [spmem:s23], $0x2800, $0x38;
	[tilespmem:$0x1D980] =	vst v63  }
0x150: {  	_ =	swait.ge @!p0 [sflag:s16], $0x2800  }
0x151: {  	[sflag:s16] =	ssyncset.done @!p0 $0x0  }
0x152: {  	s17 =	simm.s32 @!p0 $0x2900;
	[sflag:s16] =	ssyncadd.s32 @!p0 $0xFFFFD800;
	s16 =	simm.s32 @!p0 $0x0  }
0x153: {  	[hbm4b:s18+s16] =	stream.linear.scatter @!p0 [tilespmem:s17], [sflag:$0x4], $0x2800, $0x38;
	[tilespmem:$0x1D980] =	vst v63  }
0x154: {  	s17 =	simm.s32 @!p0 $0x4  }
0x155: {  	_ =	swait.ge @!p0 [sflag:s17], $0x2800  }
0x156: {  	[sflag:s17] =	ssyncset.done @!p0 $0x0  }
0x157: {  	[sflag:s17] =	ssyncadd.s32 @!p0 $0xFFFFD800;
	s17 =	simm.s32 @!p0 $0x2  }
0x158: {  	_ =	swait.ge @!p0 [sflag:s17], $0x2800  }
0x159: {  	[sflag:s17] =	ssyncset.done @!p0 $0x0  }
0x15a: {  	[sflag:s17] =	ssyncadd.s32 @!p0 $0xFFFFD800;
	s17 =	rddreg [dreg:$0xd]  }
0x15b: {  	[hbm4b:s17+s16] =	stream.linear.scatter @!p0 [tilespmem:s11], [sflag:$0x5], $0x2800, $0x38;
	[tilespmem:$0x1D980] =	vst v63  }
0x15c: {  	s11 =	simm.s32 @!p0 $0x5  }
0x15d: {  	s11 =	simm.s32 @p0 $0x4  }
0x15e: {  	_ =	swait.ge [sflag:s11], $0x2800  }
0x15f: {  	s14 =	sadd.s32 $0x1, s14;
	s30 =	rddreg [dreg:$0x13]  }
0x160: {  	p1 =	sne.s32 s14, s30  }
.Ltmp3:
0x161: {  	_ = 	snop;
	(pc) =	sbr.rel @p1 .LBB2_1-.Ltmp3, $3  }
0x162: {  	_ =	sdelay $0x1  }
0x163: {  	[sflag:s11] =	ssyncset.done $0x0  }
0x164: {  	[sflag:s11] =	ssyncadd.s32 $0xFFFFD800  }
0x165: {  	_ =	sfence.sel $0x180000  }
0x166: {  	[bflag:$0x0] =	sbarrier.arrive $0xFFFF  }
0x167: {  	_ =	strace $0x90000047  }
0x168: {  	s0 =	stileid.u32;
	[bflag:$0x2] =	sbarrier.arrive $0xFFFF  }
0x169: {  	p0 =	sne.s32 s0, $0x0;
	s0 =	rddreg [dreg:$0x5]  }
0x16a: {  	s0 =	sadd.s32 @!p0 $0x100000, s0  }
0x16b: {  	[sflag:s0] =	ssyncadd.tile.s32 @!p0 $0x1;
	_ =	shalt  }
.Lfunc_end2:
_tile_overlayer_lowered:
.L_overlay_start_2:
0x16c: {  	(tag) =	ssettag $0x2  }
0x16d: {  	s0 =	rddreg [dreg:$0x0];
	s2 =	stileid.u32  }
0x16e: {  	s1 =	rddreg [dreg:$0x1];
	p0 =	sne.s32 s2, $0x0  }
0x16f: {  	s3 =	rddreg [dreg:$0x2];
	[bflag:$0x3] =	sbarrier.arrive $0xFFFF;
	s2 =	simm.s32 @!p0 $0x1C0A  }
0x170: {  	[timem:s3], [sflag:s2] =	dma.local @!p0 [hbm:s0], s1  }
0x171: {  	s0 =	simm.s32 @!p0 $0xA  }
0x172: {  	_ =	swait.ge @!p0 [sflag:s0], s1  }
0x173: {  	s1 =	ssub.s32 @!p0 $0x0, s1;
	[sflag:s0] =	ssyncset.done @!p0 $0x0  }
0x174: {  	[sflag:s0] =	ssyncadd.s32 @!p0 s1  }
0x175: {  	[bflag:$0x3] =	sbarrier.arrive $0xFFFF  }
0x176: {  	_ =	shalt  }

</sc_bundles>
